<compile_context>
chip_gen: v7x
topology: tpu7x:2x2x1
jax: 0.10.2.dev20260603
libtpu: 0.0.44.dev20260713+nightly
codegen_flags: <defaults>
</compile_context>

<pallas_src>
import functools

import jax
import jax.numpy as jnp
from jax import lax
from jax.experimental import pallas as pl
from jax.experimental.pallas import tpu as pltpu
from jax.experimental.pallas import tpu_sc as plsc

_S = 8


@functools.lru_cache(maxsize=None)
def _make_sc_tile_gather(T, D, B):
  info = plsc.get_sparse_core_info()
  NC, NS = info.num_cores, info.num_subcores
  NW = NC * NS
  assert B % NW == 0
  b_per_w = B // NW
  mesh = plsc.VectorSubcoreMesh(core_axis_name="c", subcore_axis_name="s")

  @functools.partial(
      pl.kernel,
      mesh=mesh,
      out_type=jax.ShapeDtypeStruct((B, D), jnp.float32),
      scratch_types=[
          pltpu.VMEM((b_per_w,), jnp.int32),
          pltpu.VMEM((b_per_w,), jnp.int32),
          pltpu.VMEM((b_per_w, D), jnp.float32),
          pltpu.SemaphoreType.DMA,
      ],
  )
  def gather(tiles_hbm, tid_hbm, sub_hbm, out_hbm, tid_v, sub_v, rows_v, sem):
    wid = lax.axis_index("s") * NC + lax.axis_index("c")
    base = wid * b_per_w
    pltpu.sync_copy(tid_hbm.at[pl.ds(base, b_per_w)], tid_v)
    pltpu.sync_copy(sub_hbm.at[pl.ds(base, b_per_w)], sub_v)

    def grp(g, _):
      t16 = tid_v[pl.ds(g * 16, 16)]
      s16 = sub_v[pl.ds(g * 16, 16)]
      cps = []
      for k in range(16):
        cps.append(
            pltpu.async_copy(
                tiles_hbm.at[t16[k], s16[k]], rows_v.at[g * 16 + k], sem))
      for c in cps:
        c.wait()
      return 0

    lax.fori_loop(0, b_per_w // 16, grp, 0)
    pltpu.sync_copy(rows_v, out_hbm.at[pl.ds(base, b_per_w)])

  return gather


def _proj_body(emb_ref, w_ref, b_ref, out_ref):
  out_ref[...] = (
      jnp.dot(emb_ref[...], w_ref[...], preferred_element_type=jnp.float32)
      + b_ref[...])


def _tc_proj(emb, W, b2d):
  R, D = emb.shape
  BB = 2048
  return pl.pallas_call(
      _proj_body,
      grid=(R // BB,),
      in_specs=[
          pl.BlockSpec((BB, D), lambda i: (i, 0)),
          pl.BlockSpec((D, D), lambda i: (0, 0)),
          pl.BlockSpec((1, D), lambda i: (0, 0)),
      ],
      out_specs=pl.BlockSpec((BB, D), lambda i: (i, 0)),
      out_shape=jax.ShapeDtypeStruct((R, D), jnp.float32),
  )(emb, W, b2d)


def kernel(ids, table, W, b):
  B = ids.shape[0]
  V, D = table.shape
  idx = ids.reshape(B)
  tid = idx // _S
  sub = idx - tid * _S
  tiles = table.reshape(V // _S, _S, D)
  emb = _make_sc_tile_gather(V // _S, D, B)(tiles, tid, sub)
  out = _tc_proj(emb, W, b.reshape(1, D))
  return out

# --- scband reference (transcript-rebuilt; emitter-appended) ---
"""Pipeline reference for scband-itemized-layer-67989332296340 (READ-ONLY COPY).

The authoritative reference and input builder live on the scoring server;
editing this copy changes nothing except your own understanding.
"""

import jax, jax.numpy as jnp
import numpy as np

N_ITEMS = 1000000
EMBED_DIM = 64
BATCH = 16384

def setup_inputs(seed: int = 0) -> dict:
    key = jax.random.key(seed)
    k1, k2, k3 = jax.random.split(key, 3)
    ids = jax.random.randint(k1, (BATCH, 1), 0, N_ITEMS, dtype=jnp.int32)
    table = jax.random.normal(k2, (N_ITEMS, EMBED_DIM), dtype=jnp.float32) * 0.02
    W = jax.random.normal(k3, (EMBED_DIM, EMBED_DIM), dtype=jnp.float32) * (1.0 / np.sqrt(EMBED_DIM))
    b = jnp.zeros((EMBED_DIM,), dtype=jnp.float32)
    return {"ids": ids, "table": table, "W": W, "b": b}

def reference(ids, table, W, b):
    # Embedding(input_dim=n_items, output_dim=flattened_dim, input_length=1)
    emb = jnp.take(table, ids[:, 0], axis=0)  # [B, flattened_dim]
    # shared_embedding_projection -> Dense(flattened_dim)
    proj = emb @ W + b
    # Reshape(output_dim) with output_dim=(64,)
    out = jnp.reshape(proj, (ids.shape[0], EMBED_DIM))
    return out

if __name__ == "__main__":
    import jax
    _d = setup_inputs()
    print(jax.jit(kernel)(*tuple(_d.values())))

</pallas_src>

<mosaic_0001>
#map = affine_map<(d0, d1) -> (0, 0, 0)>
#map1 = affine_map<(d0, d1) -> (0)>
#map2 = affine_map<(d0, d1) -> (0, 0)>
module attributes {stable_mosaic.version = 14 : i64} {
  func.func @gather(%arg0: i32, %arg1: i32, %arg2: memref<125000x8x64xf32, #tpu.memory_space<hbm>>, %arg3: memref<16384xi32, #tpu.memory_space<hbm>>, %arg4: memref<16384xi32, #tpu.memory_space<hbm>>, %arg5: memref<16384x64xf32, #tpu.memory_space<hbm>>, %arg6: memref<512xi32, #tpu.memory_space<vmem>>, %arg7: memref<512xi32, #tpu.memory_space<vmem>>, %arg8: memref<512x64xf32, #tpu.memory_space<vmem>>, %arg9: memref<!tpu.dma_semaphore, #tpu.memory_space<semaphore_mem>>) attributes {dimension_semantics = [#tpu.dimension_semantics<core_parallel>, #tpu.dimension_semantics<subcore_parallel>], iteration_bounds = array<i64: 2, 16>, scalar_prefetch = 0 : i64, scratch_operands = 4 : i64, tpu.core_type = #tpu.core_type<sc_vector_subcore>, window_params = [{transform_indices = #map}, {transform_indices = #map1}, {transform_indices = #map1}, {transform_indices = #map2}]} {
    %mul3A = arith.constant 2 : i32
    %mul3A_0 = arith.muli %arg1, %mul3A : i32
    %add3A = arith.addi %mul3A_0, %arg0 : i32
    %mul3A_1 = arith.constant 512 : i32
    %mul3A_2 = arith.muli %add3A, %mul3A_1 : i32
    "tpu.region"() ({
      %run_scoped3A = tpu.sem_alloc : memref<!tpu.dma_semaphore, #tpu.memory_space<semaphore_mem>>
      %dma_start3A = tpu.memref_slice %arg3[%mul3A_2] : memref<16384xi32, #tpu.memory_space<hbm>> -> memref<512xi32, #tpu.memory_space<hbm>>
      %dma_start3A_9 = tpu.memref_slice %arg3[%mul3A_2] : memref<16384xi32, #tpu.memory_space<hbm>> -> memref<512xi32, #tpu.memory_space<hbm>>
      tpu.enqueue_dma source(%dma_start3A_9 : memref<512xi32, #tpu.memory_space<hbm>>) target(%arg6 : memref<512xi32, #tpu.memory_space<vmem>>) target_semaphore(%run_scoped3A : memref<!tpu.dma_semaphore, #tpu.memory_space<semaphore_mem>>)
      %dma_wait3A = tpu.memref_slice %arg3[%mul3A_2] : memref<16384xi32, #tpu.memory_space<hbm>> -> memref<512xi32, #tpu.memory_space<hbm>>
      %dma_wait3A_10 = tpu.memref_slice %arg3[%mul3A_2] : memref<16384xi32, #tpu.memory_space<hbm>> -> memref<512xi32, #tpu.memory_space<hbm>>
      tpu.wait_dma2 semaphore(%run_scoped3A : memref<!tpu.dma_semaphore, #tpu.memory_space<semaphore_mem>>) src(%dma_wait3A_10 : memref<512xi32, #tpu.memory_space<hbm>>) dst(%arg6 : memref<512xi32, #tpu.memory_space<vmem>>)
      tpu.yield
    }) : () -> ()
    "tpu.region"() ({
      %run_scoped3A = tpu.sem_alloc : memref<!tpu.dma_semaphore, #tpu.memory_space<semaphore_mem>>
      %dma_start3A = tpu.memref_slice %arg4[%mul3A_2] : memref<16384xi32, #tpu.memory_space<hbm>> -> memref<512xi32, #tpu.memory_space<hbm>>
      %dma_start3A_9 = tpu.memref_slice %arg4[%mul3A_2] : memref<16384xi32, #tpu.memory_space<hbm>> -> memref<512xi32, #tpu.memory_space<hbm>>
      tpu.enqueue_dma source(%dma_start3A_9 : memref<512xi32, #tpu.memory_space<hbm>>) target(%arg7 : memref<512xi32, #tpu.memory_space<vmem>>) target_semaphore(%run_scoped3A : memref<!tpu.dma_semaphore, #tpu.memory_space<semaphore_mem>>)
      %dma_wait3A = tpu.memref_slice %arg4[%mul3A_2] : memref<16384xi32, #tpu.memory_space<hbm>> -> memref<512xi32, #tpu.memory_space<hbm>>
      %dma_wait3A_10 = tpu.memref_slice %arg4[%mul3A_2] : memref<16384xi32, #tpu.memory_space<hbm>> -> memref<512xi32, #tpu.memory_space<hbm>>
      tpu.wait_dma2 semaphore(%run_scoped3A : memref<!tpu.dma_semaphore, #tpu.memory_space<semaphore_mem>>) src(%dma_wait3A_10 : memref<512xi32, #tpu.memory_space<hbm>>) dst(%arg7 : memref<512xi32, #tpu.memory_space<vmem>>)
      tpu.yield
    }) : () -> ()
    %scan3A = arith.constant 0 : i32
    %scan3A_3 = arith.constant 0 : i32
    %scan3A_4 = arith.constant 32 : i32
    %scan3A_5 = arith.addi %scan3A_3, %scan3A_4 : i32
    %scan3A_6 = arith.constant 1 : i32
    %scan3A_7 = scf.for %scan3A_9 = %scan3A_3 to %scan3A_5 step %scan3A_6 iter_args(%scan3A_10 = %scan3A) -> (i32)  : i32 {
      %mul3A_11 = arith.constant 16 : i32
      %mul3A_12 = arith.muli %scan3A_9, %mul3A_11 : i32
      %get3A = arith.index_cast %mul3A_12 : i32 to index
      %get3A_13 = tpu.vector_load %arg6[%get3A] {strides = array<i32>} : memref<512xi32, #tpu.memory_space<vmem>>, vector<16xi32>,
      %get3A_14 = vector.shape_cast %get3A_13 : vector<16xi32> to vector<16xi32>
      %mul3A_15 = arith.constant 16 : i32
      %mul3A_16 = arith.muli %scan3A_9, %mul3A_15 : i32
      %get3A_17 = arith.index_cast %mul3A_16 : i32 to index
      %get3A_18 = tpu.vector_load %arg7[%get3A_17] {strides = array<i32>} : memref<512xi32, #tpu.memory_space<vmem>>, vector<16xi32>,
      %get3A_19 = vector.shape_cast %get3A_18 : vector<16xi32> to vector<16xi32>
      %slice3A = vector.extract_strided_slice %get3A_14 {offsets = [0], sizes = [1], strides = [1]} : vector<16xi32> to vector<1xi32>
      %squeeze3A = vector.extract %slice3A[0] : i32 from vector<1xi32>
      %slice3A_20 = vector.extract_strided_slice %get3A_19 {offsets = [0], sizes = [1], strides = [1]} : vector<16xi32> to vector<1xi32>
      %squeeze3A_21 = vector.extract %slice3A_20[0] : i32 from vector<1xi32>
      %mul3A_22 = arith.constant 16 : i32
      %mul3A_23 = arith.muli %scan3A_9, %mul3A_22 : i32
      %add3A_24 = arith.constant 0 : i32
      %add3A_25 = arith.addi %mul3A_23, %add3A_24 : i32
      %dma_start3A = arith.constant 0 : i32
      %dma_start3A_26 = tpu.memref_slice %arg8[%add3A_25, %dma_start3A] : memref<512x64xf32, #tpu.memory_space<vmem>> -> memref<1x64xf32, #tpu.memory_space<vmem>>
      %dma_start3A_27 = tpu.memref_squeeze %dma_start3A_26 : memref<1x64xf32, #tpu.memory_space<vmem>> -> memref<64xf32, #tpu.memory_space<vmem>>
      %dma_start3A_28 = arith.constant 0 : i32
      %dma_start3A_29 = tpu.memref_slice %arg2[%squeeze3A, %squeeze3A_21, %dma_start3A_28] : memref<125000x8x64xf32, #tpu.memory_space<hbm>> -> memref<1x1x64xf32, #tpu.memory_space<hbm>>
      %dma_start3A_30 = tpu.memref_squeeze %dma_start3A_29 : memref<1x1x64xf32, #tpu.memory_space<hbm>> -> memref<64xf32, #tpu.memory_space<hbm>>
      %dma_start3A_31 = arith.constant 0 : i32
      %dma_start3A_32 = tpu.memref_slice %arg8[%add3A_25, %dma_start3A_31] : memref<512x64xf32, #tpu.memory_space<vmem>> -> memref<1x64xf32, #tpu.memory_space<vmem>>
      %dma_start3A_33 = tpu.memref_squeeze %dma_start3A_32 : memref<1x64xf32, #tpu.memory_space<vmem>> -> memref<64xf32, #tpu.memory_space<vmem>>
      %dma_start3A_34 = arith.constant 0 : i32
      %dma_start3A_35 = tpu.memref_slice %arg2[%squeeze3A, %squeeze3A_21, %dma_start3A_34] : memref<125000x8x64xf32, #tpu.memory_space<hbm>> -> memref<1x1x64xf32, #tpu.memory_space<hbm>>
      %dma_start3A_36 = tpu.memref_squeeze %dma_start3A_35 : memref<1x1x64xf32, #tpu.memory_space<hbm>> -> memref<64xf32, #tpu.memory_space<hbm>>
      tpu.enqueue_dma source(%dma_start3A_36 : memref<64xf32, #tpu.memory_space<hbm>>) target(%dma_start3A_33 : memref<64xf32, #tpu.memory_space<vmem>>) target_semaphore(%arg9 : memref<!tpu.dma_semaphore, #tpu.memory_space<semaphore_mem>>)
      %slice3A_37 = vector.extract_strided_slice %get3A_14 {offsets = [1], sizes = [1], strides = [1]} : vector<16xi32> to vector<1xi32>
      %squeeze3A_38 = vector.extract %slice3A_37[0] : i32 from vector<1xi32>
      %slice3A_39 = vector.extract_strided_slice %get3A_19 {offsets = [1], sizes = [1], strides = [1]} : vector<16xi32> to vector<1xi32>
      %squeeze3A_40 = vector.extract %slice3A_39[0] : i32 from vector<1xi32>
      %mul3A_41 = arith.constant 16 : i32
      %mul3A_42 = arith.muli %scan3A_9, %mul3A_41 : i32
      %add3A_43 = arith.constant 1 : i32
      %add3A_44 = arith.addi %mul3A_42, %add3A_43 : i32
      %dma_start3A_45 = arith.constant 0 : i32
      %dma_start3A_46 = tpu.memref_slice %arg8[%add3A_44, %dma_start3A_45] : memref<512x64xf32, #tpu.memory_space<vmem>> -> memref<1x64xf32, #tpu.memory_space<vmem>>
      %dma_start3A_47 = tpu.memref_squeeze %dma_start3A_46 : memref<1x64xf32, #tpu.memory_space<vmem>> -> memref<64xf32, #tpu.memory_space<vmem>>
      %dma_start3A_48 = arith.constant 0 : i32
      %dma_start3A_49 = tpu.memref_slice %arg2[%squeeze3A_38, %squeeze3A_40, %dma_start3A_48] : memref<125000x8x64xf32, #tpu.memory_space<hbm>> -> memref<1x1x64xf32, #tpu.memory_space<hbm>>
      %dma_start3A_50 = tpu.memref_squeeze %dma_start3A_49 : memref<1x1x64xf32, #tpu.memory_space<hbm>> -> memref<64xf32, #tpu.memory_space<hbm>>
      %dma_start3A_51 = arith.constant 0 : i32
      %dma_start3A_52 = tpu.memref_slice %arg8[%add3A_44, %dma_start3A_51] : memref<512x64xf32, #tpu.memory_space<vmem>> -> memref<1x64xf32, #tpu.memory_space<vmem>>
      %dma_start3A_53 = tpu.memref_squeeze %dma_start3A_52 : memref<1x64xf32, #tpu.memory_space<vmem>> -> memref<64xf32, #tpu.memory_space<vmem>>
      %dma_start3A_54 = arith.constant 0 : i32
      %dma_start3A_55 = tpu.memref_slice %arg2[%squeeze3A_38, %squeeze3A_40, %dma_start3A_54] : memref<125000x8x64xf32, #tpu.memory_space<hbm>> -> memref<1x1x64xf32, #tpu.memory_space<hbm>>
      %dma_start3A_56 = tpu.memref_squeeze %dma_start3A_55 : memref<1x1x64xf32, #tpu.memory_space<hbm>> -> memref<64xf32, #tpu.memory_space<hbm>>
      tpu.enqueue_dma source(%dma_start3A_56 : memref<64xf32, #tpu.memory_space<hbm>>) target(%dma_start3A_53 : memref<64xf32, #tpu.memory_space<vmem>>) target_semaphore(%arg9 : memref<!tpu.dma_semaphore, #tpu.memory_space<semaphore_mem>>)
      %slice3A_57 = vector.extract_strided_slice %get3A_14 {offsets = [2], sizes = [1], strides = [1]} : vector<16xi32> to vector<1xi32>
      %squeeze3A_58 = vector.extract %slice3A_57[0] : i32 from vector<1xi32>
      %slice3A_59 = vector.extract_strided_slice %get3A_19 {offsets = [2], sizes = [1], strides = [1]} : vector<16xi32> to vector<1xi32>
      %squeeze3A_60 = vector.extract %slice3A_59[0] : i32 from vector<1xi32>
      %mul3A_61 = arith.constant 16 : i32
      %mul3A_62 = arith.muli %scan3A_9, %mul3A_61 : i32
      %add3A_63 = arith.constant 2 : i32
      %add3A_64 = arith.addi %mul3A_62, %add3A_63 : i32
      %dma_start3A_65 = arith.constant 0 : i32
      %dma_start3A_66 = tpu.memref_slice %arg8[%add3A_64, %dma_start3A_65] : memref<512x64xf32, #tpu.memory_space<vmem>> -> memref<1x64xf32, #tpu.memory_space<vmem>>
      %dma_start3A_67 = tpu.memref_squeeze %dma_start3A_66 : memref<1x64xf32, #tpu.memory_space<vmem>> -> memref<64xf32, #tpu.memory_space<vmem>>
      %dma_start3A_68 = arith.constant 0 : i32
      %dma_start3A_69 = tpu.memref_slice %arg2[%squeeze3A_58, %squeeze3A_60, %dma_start3A_68] : memref<125000x8x64xf32, #tpu.memory_space<hbm>> -> memref<1x1x64xf32, #tpu.memory_space<hbm>>
      %dma_start3A_70 = tpu.memref_squeeze %dma_start3A_69 : memref<1x1x64xf32, #tpu.memory_space<hbm>> -> memref<64xf32, #tpu.memory_space<hbm>>
      %dma_start3A_71 = arith.constant 0 : i32
      %dma_start3A_72 = tpu.memref_slice %arg8[%add3A_64, %dma_start3A_71] : memref<512x64xf32, #tpu.memory_space<vmem>> -> memref<1x64xf32, #tpu.memory_space<vmem>>
      %dma_start3A_73 = tpu.memref_squeeze %dma_start3A_72 : memref<1x64xf32, #tpu.memory_space<vmem>> -> memref<64xf32, #tpu.memory_space<vmem>>
      %dma_start3A_74 = arith.constant 0 : i32
      %dma_start3A_75 = tpu.memref_slice %arg2[%squeeze3A_58, %squeeze3A_60, %dma_start3A_74] : memref<125000x8x64xf32, #tpu.memory_space<hbm>> -> memref<1x1x64xf32, #tpu.memory_space<hbm>>
      %dma_start3A_76 = tpu.memref_squeeze %dma_start3A_75 : memref<1x1x64xf32, #tpu.memory_space<hbm>> -> memref<64xf32, #tpu.memory_space<hbm>>
      tpu.enqueue_dma source(%dma_start3A_76 : memref<64xf32, #tpu.memory_space<hbm>>) target(%dma_start3A_73 : memref<64xf32, #tpu.memory_space<vmem>>) target_semaphore(%arg9 : memref<!tpu.dma_semaphore, #tpu.memory_space<semaphore_mem>>)
      %slice3A_77 = vector.extract_strided_slice %get3A_14 {offsets = [3], sizes = [1], strides = [1]} : vector<16xi32> to vector<1xi32>
      %squeeze3A_78 = vector.extract %slice3A_77[0] : i32 from vector<1xi32>
      %slice3A_79 = vector.extract_strided_slice %get3A_19 {offsets = [3], sizes = [1], strides = [1]} : vector<16xi32> to vector<1xi32>
      %squeeze3A_80 = vector.extract %slice3A_79[0] : i32 from vector<1xi32>
      %mul3A_81 = arith.constant 16 : i32
      %mul3A_82 = arith.muli %scan3A_9, %mul3A_81 : i32
      %add3A_83 = arith.constant 3 : i32
      %add3A_84 = arith.addi %mul3A_82, %add3A_83 : i32
      %dma_start3A_85 = arith.constant 0 : i32
      %dma_start3A_86 = tpu.memref_slice %arg8[%add3A_84, %dma_start3A_85] : memref<512x64xf32, #tpu.memory_space<vmem>> -> memref<1x64xf32, #tpu.memory_space<vmem>>
      %dma_start3A_87 = tpu.memref_squeeze %dma_start3A_86 : memref<1x64xf32, #tpu.memory_space<vmem>> -> memref<64xf32, #tpu.memory_space<vmem>>
      %dma_start3A_88 = arith.constant 0 : i32
      %dma_start3A_89 = tpu.memref_slice %arg2[%squeeze3A_78, %squeeze3A_80, %dma_start3A_88] : memref<125000x8x64xf32, #tpu.memory_space<hbm>> -> memref<1x1x64xf32, #tpu.memory_space<hbm>>
      %dma_start3A_90 = tpu.memref_squeeze %dma_start3A_89 : memref<1x1x64xf32, #tpu.memory_space<hbm>> -> memref<64xf32, #tpu.memory_space<hbm>>
      %dma_start3A_91 = arith.constant 0 : i32
      %dma_start3A_92 = tpu.memref_slice %arg8[%add3A_84, %dma_start3A_91] : memref<512x64xf32, #tpu.memory_space<vmem>> -> memref<1x64xf32, #tpu.memory_space<vmem>>
      %dma_start3A_93 = tpu.memref_squeeze %dma_start3A_92 : memref<1x64xf32, #tpu.memory_space<vmem>> -> memref<64xf32, #tpu.memory_space<vmem>>
      %dma_start3A_94 = arith.constant 0 : i32
      %dma_start3A_95 = tpu.memref_slice %arg2[%squeeze3A_78, %squeeze3A_80, %dma_start3A_94] : memref<125000x8x64xf32, #tpu.memory_space<hbm>> -> memref<1x1x64xf32, #tpu.memory_space<hbm>>
      %dma_start3A_96 = tpu.memref_squeeze %dma_start3A_95 : memref<1x1x64xf32, #tpu.memory_space<hbm>> -> memref<64xf32, #tpu.memory_space<hbm>>
      tpu.enqueue_dma source(%dma_start3A_96 : memref<64xf32, #tpu.memory_space<hbm>>) target(%dma_start3A_93 : memref<64xf32, #tpu.memory_space<vmem>>) target_semaphore(%arg9 : memref<!tpu.dma_semaphore, #tpu.memory_space<semaphore_mem>>)
      %slice3A_97 = vector.extract_strided_slice %get3A_14 {offsets = [4], sizes = [1], strides = [1]} : vector<16xi32> to vector<1xi32>
      %squeeze3A_98 = vector.extract %slice3A_97[0] : i32 from vector<1xi32>
      %slice3A_99 = vector.extract_strided_slice %get3A_19 {offsets = [4], sizes = [1], strides = [1]} : vector<16xi32> to vector<1xi32>
      %squeeze3A_100 = vector.extract %slice3A_99[0] : i32 from vector<1xi32>
      %mul3A_101 = arith.constant 16 : i32
      %mul3A_102 = arith.muli %scan3A_9, %mul3A_101 : i32
      %add3A_103 = arith.constant 4 : i32
      %add3A_104 = arith.addi %mul3A_102, %add3A_103 : i32
      %dma_start3A_105 = arith.constant 0 : i32
      %dma_start3A_106 = tpu.memref_slice %arg8[%add3A_104, %dma_start3A_105] : memref<512x64xf32, #tpu.memory_space<vmem>> -> memref<1x64xf32, #tpu.memory_space<vmem>>
      %dma_start3A_107 = tpu.memref_squeeze %dma_start3A_106 : memref<1x64xf32, #tpu.memory_space<vmem>> -> memref<64xf32, #tpu.memory_space<vmem>>
      %dma_start3A_108 = arith.constant 0 : i32
      %dma_start3A_109 = tpu.memref_slice %arg2[%squeeze3A_98, %squeeze3A_100, %dma_start3A_108] : memref<125000x8x64xf32, #tpu.memory_space<hbm>> -> memref<1x1x64xf32, #tpu.memory_space<hbm>>
      %dma_start3A_110 = tpu.memref_squeeze %dma_start3A_109 : memref<1x1x64xf32, #tpu.memory_space<hbm>> -> memref<64xf32, #tpu.memory_space<hbm>>
      %dma_start3A_111 = arith.constant 0 : i32
      %dma_start3A_112 = tpu.memref_slice %arg8[%add3A_104, %dma_start3A_111] : memref<512x64xf32, #tpu.memory_space<vmem>> -> memref<1x64xf32, #tpu.memory_space<vmem>>
      %dma_start3A_113 = tpu.memref_squeeze %dma_start3A_112 : memref<1x64xf32, #tpu.memory_space<vmem>> -> memref<64xf32, #tpu.memory_space<vmem>>
      %dma_start3A_114 = arith.constant 0 : i32
      %dma_start3A_115 = tpu.memref_slice %arg2[%squeeze3A_98, %squeeze3A_100, %dma_start3A_114] : memref<125000x8x64xf32, #tpu.memory_space<hbm>> -> memref<1x1x64xf32, #tpu.memory_space<hbm>>
      %dma_start3A_116 = tpu.memref_squeeze %dma_start3A_115 : memref<1x1x64xf32, #tpu.memory_space<hbm>> -> memref<64xf32, #tpu.memory_space<hbm>>
      tpu.enqueue_dma source(%dma_start3A_116 : memref<64xf32, #tpu.memory_space<hbm>>) target(%dma_start3A_113 : memref<64xf32, #tpu.memory_space<vmem>>) target_semaphore(%arg9 : memref<!tpu.dma_semaphore, #tpu.memory_space<semaphore_mem>>)
      %slice3A_117 = vector.extract_strided_slice %get3A_14 {offsets = [5], sizes = [1], strides = [1]} : vector<16xi32> to vector<1xi32>
      %squeeze3A_118 = vector.extract %slice3A_117[0] : i32 from vector<1xi32>
      %slice3A_119 = vector.extract_strided_slice %get3A_19 {offsets = [5], sizes = [1], strides = [1]} : vector<16xi32> to vector<1xi32>
      %squeeze3A_120 = vector.extract %slice3A_119[0] : i32 from vector<1xi32>
      %mul3A_121 = arith.constant 16 : i32
      %mul3A_122 = arith.muli %scan3A_9, %mul3A_121 : i32
      %add3A_123 = arith.constant 5 : i32
      %add3A_124 = arith.addi %mul3A_122, %add3A_123 : i32
      %dma_start3A_125 = arith.constant 0 : i32
      %dma_start3A_126 = tpu.memref_slice %arg8[%add3A_124, %dma_start3A_125] : memref<512x64xf32, #tpu.memory_space<vmem>> -> memref<1x64xf32, #tpu.memory_space<vmem>>
      %dma_start3A_127 = tpu.memref_squeeze %dma_start3A_126 : memref<1x64xf32, #tpu.memory_space<vmem>> -> memref<64xf32, #tpu.memory_space<vmem>>
      %dma_start3A_128 = arith.constant 0 : i32
      %dma_start3A_129 = tpu.memref_slice %arg2[%squeeze3A_118, %squeeze3A_120, %dma_start3A_128] : memref<125000x8x64xf32, #tpu.memory_space<hbm>> -> memref<1x1x64xf32, #tpu.memory_space<hbm>>
      %dma_start3A_130 = tpu.memref_squeeze %dma_start3A_129 : memref<1x1x64xf32, #tpu.memory_space<hbm>> -> memref<64xf32, #tpu.memory_space<hbm>>
      %dma_start3A_131 = arith.constant 0 : i32
      %dma_start3A_132 = tpu.memref_slice %arg8[%add3A_124, %dma_start3A_131] : memref<512x64xf32, #tpu.memory_space<vmem>> -> memref<1x64xf32, #tpu.memory_space<vmem>>
      %dma_start3A_133 = tpu.memref_squeeze %dma_start3A_132 : memref<1x64xf32, #tpu.memory_space<vmem>> -> memref<64xf32, #tpu.memory_space<vmem>>
      %dma_start3A_134 = arith.constant 0 : i32
      %dma_start3A_135 = tpu.memref_slice %arg2[%squeeze3A_118, %squeeze3A_120, %dma_start3A_134] : memref<125000x8x64xf32, #tpu.memory_space<hbm>> -> memref<1x1x64xf32, #tpu.memory_space<hbm>>
      %dma_start3A_136 = tpu.memref_squeeze %dma_start3A_135 : memref<1x1x64xf32, #tpu.memory_space<hbm>> -> memref<64xf32, #tpu.memory_space<hbm>>
      tpu.enqueue_dma source(%dma_start3A_136 : memref<64xf32, #tpu.memory_space<hbm>>) target(%dma_start3A_133 : memref<64xf32, #tpu.memory_space<vmem>>) target_semaphore(%arg9 : memref<!tpu.dma_semaphore, #tpu.memory_space<semaphore_mem>>)
      %slice3A_137 = vector.extract_strided_slice %get3A_14 {offsets = [6], sizes = [1], strides = [1]} : vector<16xi32> to vector<1xi32>
      %squeeze3A_138 = vector.extract %slice3A_137[0] : i32 from vector<1xi32>
      %slice3A_139 = vector.extract_strided_slice %get3A_19 {offsets = [6], sizes = [1], strides = [1]} : vector<16xi32> to vector<1xi32>
      %squeeze3A_140 = vector.extract %slice3A_139[0] : i32 from vector<1xi32>
      %mul3A_141 = arith.constant 16 : i32
      %mul3A_142 = arith.muli %scan3A_9, %mul3A_141 : i32
      %add3A_143 = arith.constant 6 : i32
      %add3A_144 = arith.addi %mul3A_142, %add3A_143 : i32
      %dma_start3A_145 = arith.constant 0 : i32
      %dma_start3A_146 = tpu.memref_slice %arg8[%add3A_144, %dma_start3A_145] : memref<512x64xf32, #tpu.memory_space<vmem>> -> memref<1x64xf32, #tpu.memory_space<vmem>>
      %dma_start3A_147 = tpu.memref_squeeze %dma_start3A_146 : memref<1x64xf32, #tpu.memory_space<vmem>> -> memref<64xf32, #tpu.memory_space<vmem>>
      %dma_start3A_148 = arith.constant 0 : i32
      %dma_start3A_149 = tpu.memref_slice %arg2[%squeeze3A_138, %squeeze3A_140, %dma_start3A_148] : memref<125000x8x64xf32, #tpu.memory_space<hbm>> -> memref<1x1x64xf32, #tpu.memory_space<hbm>>
      %dma_start3A_150 = tpu.memref_squeeze %dma_start3A_149 : memref<1x1x64xf32, #tpu.memory_space<hbm>> -> memref<64xf32, #tpu.memory_space<hbm>>
      %dma_start3A_151 = arith.constant 0 : i32
      %dma_start3A_152 = tpu.memref_slice %arg8[%add3A_144, %dma_start3A_151] : memref<512x64xf32, #tpu.memory_space<vmem>> -> memref<1x64xf32, #tpu.memory_space<vmem>>
      %dma_start3A_153 = tpu.memref_squeeze %dma_start3A_152 : memref<1x64xf32, #tpu.memory_space<vmem>> -> memref<64xf32, #tpu.memory_space<vmem>>
      %dma_start3A_154 = arith.constant 0 : i32
      %dma_start3A_155 = tpu.memref_slice %arg2[%squeeze3A_138, %squeeze3A_140, %dma_start3A_154] : memref<125000x8x64xf32, #tpu.memory_space<hbm>> -> memref<1x1x64xf32, #tpu.memory_space<hbm>>
      %dma_start3A_156 = tpu.memref_squeeze %dma_start3A_155 : memref<1x1x64xf32, #tpu.memory_space<hbm>> -> memref<64xf32, #tpu.memory_space<hbm>>
      tpu.enqueue_dma source(%dma_start3A_156 : memref<64xf32, #tpu.memory_space<hbm>>) target(%dma_start3A_153 : memref<64xf32, #tpu.memory_space<vmem>>) target_semaphore(%arg9 : memref<!tpu.dma_semaphore, #tpu.memory_space<semaphore_mem>>)
      %slice3A_157 = vector.extract_strided_slice %get3A_14 {offsets = [7], sizes = [1], strides = [1]} : vector<16xi32> to vector<1xi32>
      %squeeze3A_158 = vector.extract %slice3A_157[0] : i32 from vector<1xi32>
      %slice3A_159 = vector.extract_strided_slice %get3A_19 {offsets = [7], sizes = [1], strides = [1]} : vector<16xi32> to vector<1xi32>
      %squeeze3A_160 = vector.extract %slice3A_159[0] : i32 from vector<1xi32>
      %mul3A_161 = arith.constant 16 : i32
      %mul3A_162 = arith.muli %scan3A_9, %mul3A_161 : i32
      %add3A_163 = arith.constant 7 : i32
      %add3A_164 = arith.addi %mul3A_162, %add3A_163 : i32
      %dma_start3A_165 = arith.constant 0 : i32
      %dma_start3A_166 = tpu.memref_slice %arg8[%add3A_164, %dma_start3A_165] : memref<512x64xf32, #tpu.memory_space<vmem>> -> memref<1x64xf32, #tpu.memory_space<vmem>>
      %dma_start3A_167 = tpu.memref_squeeze %dma_start3A_166 : memref<1x64xf32, #tpu.memory_space<vmem>> -> memref<64xf32, #tpu.memory_space<vmem>>
      %dma_start3A_168 = arith.constant 0 : i32
      %dma_start3A_169 = tpu.memref_slice %arg2[%squeeze3A_158, %squeeze3A_160, %dma_start3A_168] : memref<125000x8x64xf32, #tpu.memory_space<hbm>> -> memref<1x1x64xf32, #tpu.memory_space<hbm>>
      %dma_start3A_170 = tpu.memref_squeeze %dma_start3A_169 : memref<1x1x64xf32, #tpu.memory_space<hbm>> -> memref<64xf32, #tpu.memory_space<hbm>>
      %dma_start3A_171 = arith.constant 0 : i32
      %dma_start3A_172 = tpu.memref_slice %arg8[%add3A_164, %dma_start3A_171] : memref<512x64xf32, #tpu.memory_space<vmem>> -> memref<1x64xf32, #tpu.memory_space<vmem>>
      %dma_start3A_173 = tpu.memref_squeeze %dma_start3A_172 : memref<1x64xf32, #tpu.memory_space<vmem>> -> memref<64xf32, #tpu.memory_space<vmem>>
      %dma_start3A_174 = arith.constant 0 : i32
      %dma_start3A_175 = tpu.memref_slice %arg2[%squeeze3A_158, %squeeze3A_160, %dma_start3A_174] : memref<125000x8x64xf32, #tpu.memory_space<hbm>> -> memref<1x1x64xf32, #tpu.memory_space<hbm>>
      %dma_start3A_176 = tpu.memref_squeeze %dma_start3A_175 : memref<1x1x64xf32, #tpu.memory_space<hbm>> -> memref<64xf32, #tpu.memory_space<hbm>>
      tpu.enqueue_dma source(%dma_start3A_176 : memref<64xf32, #tpu.memory_space<hbm>>) target(%dma_start3A_173 : memref<64xf32, #tpu.memory_space<vmem>>) target_semaphore(%arg9 : memref<!tpu.dma_semaphore, #tpu.memory_space<semaphore_mem>>)
      %slice3A_177 = vector.extract_strided_slice %get3A_14 {offsets = [8], sizes = [1], strides = [1]} : vector<16xi32> to vector<1xi32>
      %squeeze3A_178 = vector.extract %slice3A_177[0] : i32 from vector<1xi32>
      %slice3A_179 = vector.extract_strided_slice %get3A_19 {offsets = [8], sizes = [1], strides = [1]} : vector<16xi32> to vector<1xi32>
      %squeeze3A_180 = vector.extract %slice3A_179[0] : i32 from vector<1xi32>
      %mul3A_181 = arith.constant 16 : i32
      %mul3A_182 = arith.muli %scan3A_9, %mul3A_181 : i32
      %add3A_183 = arith.constant 8 : i32
      %add3A_184 = arith.addi %mul3A_182, %add3A_183 : i32
      %dma_start3A_185 = arith.constant 0 : i32
      %dma_start3A_186 = tpu.memref_slice %arg8[%add3A_184, %dma_start3A_185] : memref<512x64xf32, #tpu.memory_space<vmem>> -> memref<1x64xf32, #tpu.memory_space<vmem>>
      %dma_start3A_187 = tpu.memref_squeeze %dma_start3A_186 : memref<1x64xf32, #tpu.memory_space<vmem>> -> memref<64xf32, #tpu.memory_space<vmem>>
      %dma_start3A_188 = arith.constant 0 : i32
      %dma_start3A_189 = tpu.memref_slice %arg2[%squeeze3A_178, %squeeze3A_180, %dma_start3A_188] : memref<125000x8x64xf32, #tpu.memory_space<hbm>> -> memref<1x1x64xf32, #tpu.memory_space<hbm>>
      %dma_start3A_190 = tpu.memref_squeeze %dma_start3A_189 : memref<1x1x64xf32, #tpu.memory_space<hbm>> -> memref<64xf32, #tpu.memory_space<hbm>>
      %dma_start3A_191 = arith.constant 0 : i32
      %dma_start3A_192 = tpu.memref_slice %arg8[%add3A_184, %dma_start3A_191] : memref<512x64xf32, #tpu.memory_space<vmem>> -> memref<1x64xf32, #tpu.memory_space<vmem>>
      %dma_start3A_193 = tpu.memref_squeeze %dma_start3A_192 : memref<1x64xf32, #tpu.memory_space<vmem>> -> memref<64xf32, #tpu.memory_space<vmem>>
      %dma_start3A_194 = arith.constant 0 : i32
      %dma_start3A_195 = tpu.memref_slice %arg2[%squeeze3A_178, %squeeze3A_180, %dma_start3A_194] : memref<125000x8x64xf32, #tpu.memory_space<hbm>> -> memref<1x1x64xf32, #tpu.memory_space<hbm>>
      %dma_start3A_196 = tpu.memref_squeeze %dma_start3A_195 : memref<1x1x64xf32, #tpu.memory_space<hbm>> -> memref<64xf32, #tpu.memory_space<hbm>>
      tpu.enqueue_dma source(%dma_start3A_196 : memref<64xf32, #tpu.memory_space<hbm>>) target(%dma_start3A_193 : memref<64xf32, #tpu.memory_space<vmem>>) target_semaphore(%arg9 : memref<!tpu.dma_semaphore, #tpu.memory_space<semaphore_mem>>)
      %slice3A_197 = vector.extract_strided_slice %get3A_14 {offsets = [9], sizes = [1], strides = [1]} : vector<16xi32> to vector<1xi32>
      %squeeze3A_198 = vector.extract %slice3A_197[0] : i32 from vector<1xi32>
      %slice3A_199 = vector.extract_strided_slice %get3A_19 {offsets = [9], sizes = [1], strides = [1]} : vector<16xi32> to vector<1xi32>
      %squeeze3A_200 = vector.extract %slice3A_199[0] : i32 from vector<1xi32>
      %mul3A_201 = arith.constant 16 : i32
      %mul3A_202 = arith.muli %scan3A_9, %mul3A_201 : i32
      %add3A_203 = arith.constant 9 : i32
      %add3A_204 = arith.addi %mul3A_202, %add3A_203 : i32
      %dma_start3A_205 = arith.constant 0 : i32
      %dma_start3A_206 = tpu.memref_slice %arg8[%add3A_204, %dma_start3A_205] : memref<512x64xf32, #tpu.memory_space<vmem>> -> memref<1x64xf32, #tpu.memory_space<vmem>>
      %dma_start3A_207 = tpu.memref_squeeze %dma_start3A_206 : memref<1x64xf32, #tpu.memory_space<vmem>> -> memref<64xf32, #tpu.memory_space<vmem>>
      %dma_start3A_208 = arith.constant 0 : i32
      %dma_start3A_209 = tpu.memref_slice %arg2[%squeeze3A_198, %squeeze3A_200, %dma_start3A_208] : memref<125000x8x64xf32, #tpu.memory_space<hbm>> -> memref<1x1x64xf32, #tpu.memory_space<hbm>>
      %dma_start3A_210 = tpu.memref_squeeze %dma_start3A_209 : memref<1x1x64xf32, #tpu.memory_space<hbm>> -> memref<64xf32, #tpu.memory_space<hbm>>
      %dma_start3A_211 = arith.constant 0 : i32
      %dma_start3A_212 = tpu.memref_slice %arg8[%add3A_204, %dma_start3A_211] : memref<512x64xf32, #tpu.memory_space<vmem>> -> memref<1x64xf32, #tpu.memory_space<vmem>>
      %dma_start3A_213 = tpu.memref_squeeze %dma_start3A_212 : memref<1x64xf32, #tpu.memory_space<vmem>> -> memref<64xf32, #tpu.memory_space<vmem>>
      %dma_start3A_214 = arith.constant 0 : i32
      %dma_start3A_215 = tpu.memref_slice %arg2[%squeeze3A_198, %squeeze3A_200, %dma_start3A_214] : memref<125000x8x64xf32, #tpu.memory_space<hbm>> -> memref<1x1x64xf32, #tpu.memory_space<hbm>>
      %dma_start3A_216 = tpu.memref_squeeze %dma_start3A_215 : memref<1x1x64xf32, #tpu.memory_space<hbm>> -> memref<64xf32, #tpu.memory_space<hbm>>
      tpu.enqueue_dma source(%dma_start3A_216 : memref<64xf32, #tpu.memory_space<hbm>>) target(%dma_start3A_213 : memref<64xf32, #tpu.memory_space<vmem>>) target_semaphore(%arg9 : memref<!tpu.dma_semaphore, #tpu.memory_space<semaphore_mem>>)
      %slice3A_217 = vector.extract_strided_slice %get3A_14 {offsets = [10], sizes = [1], strides = [1]} : vector<16xi32> to vector<1xi32>
      %squeeze3A_218 = vector.extract %slice3A_217[0] : i32 from vector<1xi32>
      %slice3A_219 = vector.extract_strided_slice %get3A_19 {offsets = [10], sizes = [1], strides = [1]} : vector<16xi32> to vector<1xi32>
      %squeeze3A_220 = vector.extract %slice3A_219[0] : i32 from vector<1xi32>
      %mul3A_221 = arith.constant 16 : i32
      %mul3A_222 = arith.muli %scan3A_9, %mul3A_221 : i32
      %add3A_223 = arith.constant 10 : i32
      %add3A_224 = arith.addi %mul3A_222, %add3A_223 : i32
      %dma_start3A_225 = arith.constant 0 : i32
      %dma_start3A_226 = tpu.memref_slice %arg8[%add3A_224, %dma_start3A_225] : memref<512x64xf32, #tpu.memory_space<vmem>> -> memref<1x64xf32, #tpu.memory_space<vmem>>
      %dma_start3A_227 = tpu.memref_squeeze %dma_start3A_226 : memref<1x64xf32, #tpu.memory_space<vmem>> -> memref<64xf32, #tpu.memory_space<vmem>>
      %dma_start3A_228 = arith.constant 0 : i32
      %dma_start3A_229 = tpu.memref_slice %arg2[%squeeze3A_218, %squeeze3A_220, %dma_start3A_228] : memref<125000x8x64xf32, #tpu.memory_space<hbm>> -> memref<1x1x64xf32, #tpu.memory_space<hbm>>
      %dma_start3A_230 = tpu.memref_squeeze %dma_start3A_229 : memref<1x1x64xf32, #tpu.memory_space<hbm>> -> memref<64xf32, #tpu.memory_space<hbm>>
      %dma_start3A_231 = arith.constant 0 : i32
      %dma_start3A_232 = tpu.memref_slice %arg8[%add3A_224, %dma_start3A_231] : memref<512x64xf32, #tpu.memory_space<vmem>> -> memref<1x64xf32, #tpu.memory_space<vmem>>
      %dma_start3A_233 = tpu.memref_squeeze %dma_start3A_232 : memref<1x64xf32, #tpu.memory_space<vmem>> -> memref<64xf32, #tpu.memory_space<vmem>>
      %dma_start3A_234 = arith.constant 0 : i32
      %dma_start3A_235 = tpu.memref_slice %arg2[%squeeze3A_218, %squeeze3A_220, %dma_start3A_234] : memref<125000x8x64xf32, #tpu.memory_space<hbm>> -> memref<1x1x64xf32, #tpu.memory_space<hbm>>
      %dma_start3A_236 = tpu.memref_squeeze %dma_start3A_235 : memref<1x1x64xf32, #tpu.memory_space<hbm>> -> memref<64xf32, #tpu.memory_space<hbm>>
      tpu.enqueue_dma source(%dma_start3A_236 : memref<64xf32, #tpu.memory_space<hbm>>) target(%dma_start3A_233 : memref<64xf32, #tpu.memory_space<vmem>>) target_semaphore(%arg9 : memref<!tpu.dma_semaphore, #tpu.memory_space<semaphore_mem>>)
      %slice3A_237 = vector.extract_strided_slice %get3A_14 {offsets = [11], sizes = [1], strides = [1]} : vector<16xi32> to vector<1xi32>
      %squeeze3A_238 = vector.extract %slice3A_237[0] : i32 from vector<1xi32>
      %slice3A_239 = vector.extract_strided_slice %get3A_19 {offsets = [11], sizes = [1], strides = [1]} : vector<16xi32> to vector<1xi32>
      %squeeze3A_240 = vector.extract %slice3A_239[0] : i32 from vector<1xi32>
      %mul3A_241 = arith.constant 16 : i32
      %mul3A_242 = arith.muli %scan3A_9, %mul3A_241 : i32
      %add3A_243 = arith.constant 11 : i32
      %add3A_244 = arith.addi %mul3A_242, %add3A_243 : i32
      %dma_start3A_245 = arith.constant 0 : i32
      %dma_start3A_246 = tpu.memref_slice %arg8[%add3A_244, %dma_start3A_245] : memref<512x64xf32, #tpu.memory_space<vmem>> -> memref<1x64xf32, #tpu.memory_space<vmem>>
      %dma_start3A_247 = tpu.memref_squeeze %dma_start3A_246 : memref<1x64xf32, #tpu.memory_space<vmem>> -> memref<64xf32, #tpu.memory_space<vmem>>
      %dma_start3A_248 = arith.constant 0 : i32
      %dma_start3A_249 = tpu.memref_slice %arg2[%squeeze3A_238, %squeeze3A_240, %dma_start3A_248] : memref<125000x8x64xf32, #tpu.memory_space<hbm>> -> memref<1x1x64xf32, #tpu.memory_space<hbm>>
      %dma_start3A_250 = tpu.memref_squeeze %dma_start3A_249 : memref<1x1x64xf32, #tpu.memory_space<hbm>> -> memref<64xf32, #tpu.memory_space<hbm>>
      %dma_start3A_251 = arith.constant 0 : i32
      %dma_start3A_252 = tpu.memref_slice %arg8[%add3A_244, %dma_start3A_251] : memref<512x64xf32, #tpu.memory_space<vmem>> -> memref<1x64xf32, #tpu.memory_space<vmem>>
      %dma_start3A_253 = tpu.memref_squeeze %dma_start3A_252 : memref<1x64xf32, #tpu.memory_space<vmem>> -> memref<64xf32, #tpu.memory_space<vmem>>
      %dma_start3A_254 = arith.constant 0 : i32
      %dma_start3A_255 = tpu.memref_slice %arg2[%squeeze3A_238, %squeeze3A_240, %dma_start3A_254] : memref<125000x8x64xf32, #tpu.memory_space<hbm>> -> memref<1x1x64xf32, #tpu.memory_space<hbm>>
      %dma_start3A_256 = tpu.memref_squeeze %dma_start3A_255 : memref<1x1x64xf32, #tpu.memory_space<hbm>> -> memref<64xf32, #tpu.memory_space<hbm>>
      tpu.enqueue_dma source(%dma_start3A_256 : memref<64xf32, #tpu.memory_space<hbm>>) target(%dma_start3A_253 : memref<64xf32, #tpu.memory_space<vmem>>) target_semaphore(%arg9 : memref<!tpu.dma_semaphore, #tpu.memory_space<semaphore_mem>>)
      %slice3A_257 = vector.extract_strided_slice %get3A_14 {offsets = [12], sizes = [1], strides = [1]} : vector<16xi32> to vector<1xi32>
      %squeeze3A_258 = vector.extract %slice3A_257[0] : i32 from vector<1xi32>
      %slice3A_259 = vector.extract_strided_slice %get3A_19 {offsets = [12], sizes = [1], strides = [1]} : vector<16xi32> to vector<1xi32>
      %squeeze3A_260 = vector.extract %slice3A_259[0] : i32 from vector<1xi32>
      %mul3A_261 = arith.constant 16 : i32
      %mul3A_262 = arith.muli %scan3A_9, %mul3A_261 : i32
      %add3A_263 = arith.constant 12 : i32
      %add3A_264 = arith.addi %mul3A_262, %add3A_263 : i32
      %dma_start3A_265 = arith.constant 0 : i32
      %dma_start3A_266 = tpu.memref_slice %arg8[%add3A_264, %dma_start3A_265] : memref<512x64xf32, #tpu.memory_space<vmem>> -> memref<1x64xf32, #tpu.memory_space<vmem>>
      %dma_start3A_267 = tpu.memref_squeeze %dma_start3A_266 : memref<1x64xf32, #tpu.memory_space<vmem>> -> memref<64xf32, #tpu.memory_space<vmem>>
      %dma_start3A_268 = arith.constant 0 : i32
      %dma_start3A_269 = tpu.memref_slice %arg2[%squeeze3A_258, %squeeze3A_260, %dma_start3A_268] : memref<125000x8x64xf32, #tpu.memory_space<hbm>> -> memref<1x1x64xf32, #tpu.memory_space<hbm>>
      %dma_start3A_270 = tpu.memref_squeeze %dma_start3A_269 : memref<1x1x64xf32, #tpu.memory_space<hbm>> -> memref<64xf32, #tpu.memory_space<hbm>>
      %dma_start3A_271 = arith.constant 0 : i32
      %dma_start3A_272 = tpu.memref_slice %arg8[%add3A_264, %dma_start3A_271] : memref<512x64xf32, #tpu.memory_space<vmem>> -> memref<1x64xf32, #tpu.memory_space<vmem>>
      %dma_start3A_273 = tpu.memref_squeeze %dma_start3A_272 : memref<1x64xf32, #tpu.memory_space<vmem>> -> memref<64xf32, #tpu.memory_space<vmem>>
      %dma_start3A_274 = arith.constant 0 : i32
      %dma_start3A_275 = tpu.memref_slice %arg2[%squeeze3A_258, %squeeze3A_260, %dma_start3A_274] : memref<125000x8x64xf32, #tpu.memory_space<hbm>> -> memref<1x1x64xf32, #tpu.memory_space<hbm>>
      %dma_start3A_276 = tpu.memref_squeeze %dma_start3A_275 : memref<1x1x64xf32, #tpu.memory_space<hbm>> -> memref<64xf32, #tpu.memory_space<hbm>>
      tpu.enqueue_dma source(%dma_start3A_276 : memref<64xf32, #tpu.memory_space<hbm>>) target(%dma_start3A_273 : memref<64xf32, #tpu.memory_space<vmem>>) target_semaphore(%arg9 : memref<!tpu.dma_semaphore, #tpu.memory_space<semaphore_mem>>)
      %slice3A_277 = vector.extract_strided_slice %get3A_14 {offsets = [13], sizes = [1], strides = [1]} : vector<16xi32> to vector<1xi32>
      %squeeze3A_278 = vector.extract %slice3A_277[0] : i32 from vector<1xi32>
      %slice3A_279 = vector.extract_strided_slice %get3A_19 {offsets = [13], sizes = [1], strides = [1]} : vector<16xi32> to vector<1xi32>
      %squeeze3A_280 = vector.extract %slice3A_279[0] : i32 from vector<1xi32>
      %mul3A_281 = arith.constant 16 : i32
      %mul3A_282 = arith.muli %scan3A_9, %mul3A_281 : i32
      %add3A_283 = arith.constant 13 : i32
      %add3A_284 = arith.addi %mul3A_282, %add3A_283 : i32
      %dma_start3A_285 = arith.constant 0 : i32
      %dma_start3A_286 = tpu.memref_slice %arg8[%add3A_284, %dma_start3A_285] : memref<512x64xf32, #tpu.memory_space<vmem>> -> memref<1x64xf32, #tpu.memory_space<vmem>>
      %dma_start3A_287 = tpu.memref_squeeze %dma_start3A_286 : memref<1x64xf32, #tpu.memory_space<vmem>> -> memref<64xf32, #tpu.memory_space<vmem>>
      %dma_start3A_288 = arith.constant 0 : i32
      %dma_start3A_289 = tpu.memref_slice %arg2[%squeeze3A_278, %squeeze3A_280, %dma_start3A_288] : memref<125000x8x64xf32, #tpu.memory_space<hbm>> -> memref<1x1x64xf32, #tpu.memory_space<hbm>>
      %dma_start3A_290 = tpu.memref_squeeze %dma_start3A_289 : memref<1x1x64xf32, #tpu.memory_space<hbm>> -> memref<64xf32, #tpu.memory_space<hbm>>
      %dma_start3A_291 = arith.constant 0 : i32
      %dma_start3A_292 = tpu.memref_slice %arg8[%add3A_284, %dma_start3A_291] : memref<512x64xf32, #tpu.memory_space<vmem>> -> memref<1x64xf32, #tpu.memory_space<vmem>>
      %dma_start3A_293 = tpu.memref_squeeze %dma_start3A_292 : memref<1x64xf32, #tpu.memory_space<vmem>> -> memref<64xf32, #tpu.memory_space<vmem>>
      %dma_start3A_294 = arith.constant 0 : i32
      %dma_start3A_295 = tpu.memref_slice %arg2[%squeeze3A_278, %squeeze3A_280, %dma_start3A_294] : memref<125000x8x64xf32, #tpu.memory_space<hbm>> -> memref<1x1x64xf32, #tpu.memory_space<hbm>>
      %dma_start3A_296 = tpu.memref_squeeze %dma_start3A_295 : memref<1x1x64xf32, #tpu.memory_space<hbm>> -> memref<64xf32, #tpu.memory_space<hbm>>
      tpu.enqueue_dma source(%dma_start3A_296 : memref<64xf32, #tpu.memory_space<hbm>>) target(%dma_start3A_293 : memref<64xf32, #tpu.memory_space<vmem>>) target_semaphore(%arg9 : memref<!tpu.dma_semaphore, #tpu.memory_space<semaphore_mem>>)
      %slice3A_297 = vector.extract_strided_slice %get3A_14 {offsets = [14], sizes = [1], strides = [1]} : vector<16xi32> to vector<1xi32>
      %squeeze3A_298 = vector.extract %slice3A_297[0] : i32 from vector<1xi32>
      %slice3A_299 = vector.extract_strided_slice %get3A_19 {offsets = [14], sizes = [1], strides = [1]} : vector<16xi32> to vector<1xi32>
      %squeeze3A_300 = vector.extract %slice3A_299[0] : i32 from vector<1xi32>
      %mul3A_301 = arith.constant 16 : i32
      %mul3A_302 = arith.muli %scan3A_9, %mul3A_301 : i32
      %add3A_303 = arith.constant 14 : i32
      %add3A_304 = arith.addi %mul3A_302, %add3A_303 : i32
      %dma_start3A_305 = arith.constant 0 : i32
      %dma_start3A_306 = tpu.memref_slice %arg8[%add3A_304, %dma_start3A_305] : memref<512x64xf32, #tpu.memory_space<vmem>> -> memref<1x64xf32, #tpu.memory_space<vmem>>
      %dma_start3A_307 = tpu.memref_squeeze %dma_start3A_306 : memref<1x64xf32, #tpu.memory_space<vmem>> -> memref<64xf32, #tpu.memory_space<vmem>>
      %dma_start3A_308 = arith.constant 0 : i32
      %dma_start3A_309 = tpu.memref_slice %arg2[%squeeze3A_298, %squeeze3A_300, %dma_start3A_308] : memref<125000x8x64xf32, #tpu.memory_space<hbm>> -> memref<1x1x64xf32, #tpu.memory_space<hbm>>
      %dma_start3A_310 = tpu.memref_squeeze %dma_start3A_309 : memref<1x1x64xf32, #tpu.memory_space<hbm>> -> memref<64xf32, #tpu.memory_space<hbm>>
      %dma_start3A_311 = arith.constant 0 : i32
      %dma_start3A_312 = tpu.memref_slice %arg8[%add3A_304, %dma_start3A_311] : memref<512x64xf32, #tpu.memory_space<vmem>> -> memref<1x64xf32, #tpu.memory_space<vmem>>
      %dma_start3A_313 = tpu.memref_squeeze %dma_start3A_312 : memref<1x64xf32, #tpu.memory_space<vmem>> -> memref<64xf32, #tpu.memory_space<vmem>>
      %dma_start3A_314 = arith.constant 0 : i32
      %dma_start3A_315 = tpu.memref_slice %arg2[%squeeze3A_298, %squeeze3A_300, %dma_start3A_314] : memref<125000x8x64xf32, #tpu.memory_space<hbm>> -> memref<1x1x64xf32, #tpu.memory_space<hbm>>
      %dma_start3A_316 = tpu.memref_squeeze %dma_start3A_315 : memref<1x1x64xf32, #tpu.memory_space<hbm>> -> memref<64xf32, #tpu.memory_space<hbm>>
      tpu.enqueue_dma source(%dma_start3A_316 : memref<64xf32, #tpu.memory_space<hbm>>) target(%dma_start3A_313 : memref<64xf32, #tpu.memory_space<vmem>>) target_semaphore(%arg9 : memref<!tpu.dma_semaphore, #tpu.memory_space<semaphore_mem>>)
      %slice3A_317 = vector.extract_strided_slice %get3A_14 {offsets = [15], sizes = [1], strides = [1]} : vector<16xi32> to vector<1xi32>
      %squeeze3A_318 = vector.extract %slice3A_317[0] : i32 from vector<1xi32>
      %slice3A_319 = vector.extract_strided_slice %get3A_19 {offsets = [15], sizes = [1], strides = [1]} : vector<16xi32> to vector<1xi32>
      %squeeze3A_320 = vector.extract %slice3A_319[0] : i32 from vector<1xi32>
      %mul3A_321 = arith.constant 16 : i32
      %mul3A_322 = arith.muli %scan3A_9, %mul3A_321 : i32
      %add3A_323 = arith.constant 15 : i32
      %add3A_324 = arith.addi %mul3A_322, %add3A_323 : i32
      %dma_start3A_325 = arith.constant 0 : i32
      %dma_start3A_326 = tpu.memref_slice %arg8[%add3A_324, %dma_start3A_325] : memref<512x64xf32, #tpu.memory_space<vmem>> -> memref<1x64xf32, #tpu.memory_space<vmem>>
      %dma_start3A_327 = tpu.memref_squeeze %dma_start3A_326 : memref<1x64xf32, #tpu.memory_space<vmem>> -> memref<64xf32, #tpu.memory_space<vmem>>
      %dma_start3A_328 = arith.constant 0 : i32
      %dma_start3A_329 = tpu.memref_slice %arg2[%squeeze3A_318, %squeeze3A_320, %dma_start3A_328] : memref<125000x8x64xf32, #tpu.memory_space<hbm>> -> memref<1x1x64xf32, #tpu.memory_space<hbm>>
      %dma_start3A_330 = tpu.memref_squeeze %dma_start3A_329 : memref<1x1x64xf32, #tpu.memory_space<hbm>> -> memref<64xf32, #tpu.memory_space<hbm>>
      %dma_start3A_331 = arith.constant 0 : i32
      %dma_start3A_332 = tpu.memref_slice %arg8[%add3A_324, %dma_start3A_331] : memref<512x64xf32, #tpu.memory_space<vmem>> -> memref<1x64xf32, #tpu.memory_space<vmem>>
      %dma_start3A_333 = tpu.memref_squeeze %dma_start3A_332 : memref<1x64xf32, #tpu.memory_space<vmem>> -> memref<64xf32, #tpu.memory_space<vmem>>
      %dma_start3A_334 = arith.constant 0 : i32
      %dma_start3A_335 = tpu.memref_slice %arg2[%squeeze3A_318, %squeeze3A_320, %dma_start3A_334] : memref<125000x8x64xf32, #tpu.memory_space<hbm>> -> memref<1x1x64xf32, #tpu.memory_space<hbm>>
      %dma_start3A_336 = tpu.memref_squeeze %dma_start3A_335 : memref<1x1x64xf32, #tpu.memory_space<hbm>> -> memref<64xf32, #tpu.memory_space<hbm>>
      tpu.enqueue_dma source(%dma_start3A_336 : memref<64xf32, #tpu.memory_space<hbm>>) target(%dma_start3A_333 : memref<64xf32, #tpu.memory_space<vmem>>) target_semaphore(%arg9 : memref<!tpu.dma_semaphore, #tpu.memory_space<semaphore_mem>>)
      %dma_wait3A = arith.constant 0 : i32
      %dma_wait3A_337 = tpu.memref_slice %arg8[%add3A_25, %dma_wait3A] : memref<512x64xf32, #tpu.memory_space<vmem>> -> memref<1x64xf32, #tpu.memory_space<vmem>>
      %dma_wait3A_338 = tpu.memref_squeeze %dma_wait3A_337 : memref<1x64xf32, #tpu.memory_space<vmem>> -> memref<64xf32, #tpu.memory_space<vmem>>
      %dma_wait3A_339 = arith.constant 0 : i32
      %dma_wait3A_340 = tpu.memref_slice %arg2[%squeeze3A, %squeeze3A_21, %dma_wait3A_339] : memref<125000x8x64xf32, #tpu.memory_space<hbm>> -> memref<1x1x64xf32, #tpu.memory_space<hbm>>
      %dma_wait3A_341 = tpu.memref_squeeze %dma_wait3A_340 : memref<1x1x64xf32, #tpu.memory_space<hbm>> -> memref<64xf32, #tpu.memory_space<hbm>>
      %dma_wait3A_342 = arith.constant 0 : i32
      %dma_wait3A_343 = tpu.memref_slice %arg8[%add3A_25, %dma_wait3A_342] : memref<512x64xf32, #tpu.memory_space<vmem>> -> memref<1x64xf32, #tpu.memory_space<vmem>>
      %dma_wait3A_344 = tpu.memref_squeeze %dma_wait3A_343 : memref<1x64xf32, #tpu.memory_space<vmem>> -> memref<64xf32, #tpu.memory_space<vmem>>
      %dma_wait3A_345 = arith.constant 0 : i32
      %dma_wait3A_346 = tpu.memref_slice %arg2[%squeeze3A, %squeeze3A_21, %dma_wait3A_345] : memref<125000x8x64xf32, #tpu.memory_space<hbm>> -> memref<1x1x64xf32, #tpu.memory_space<hbm>>
      %dma_wait3A_347 = tpu.memref_squeeze %dma_wait3A_346 : memref<1x1x64xf32, #tpu.memory_space<hbm>> -> memref<64xf32, #tpu.memory_space<hbm>>
      tpu.wait_dma2 semaphore(%arg9 : memref<!tpu.dma_semaphore, #tpu.memory_space<semaphore_mem>>) src(%dma_wait3A_347 : memref<64xf32, #tpu.memory_space<hbm>>) dst(%dma_wait3A_344 : memref<64xf32, #tpu.memory_space<vmem>>)
      %dma_wait3A_348 = arith.constant 0 : i32
      %dma_wait3A_349 = tpu.memref_slice %arg8[%add3A_44, %dma_wait3A_348] : memref<512x64xf32, #tpu.memory_space<vmem>> -> memref<1x64xf32, #tpu.memory_space<vmem>>
      %dma_wait3A_350 = tpu.memref_squeeze %dma_wait3A_349 : memref<1x64xf32, #tpu.memory_space<vmem>> -> memref<64xf32, #tpu.memory_space<vmem>>
      %dma_wait3A_351 = arith.constant 0 : i32
      %dma_wait3A_352 = tpu.memref_slice %arg2[%squeeze3A_38, %squeeze3A_40, %dma_wait3A_351] : memref<125000x8x64xf32, #tpu.memory_space<hbm>> -> memref<1x1x64xf32, #tpu.memory_space<hbm>>
      %dma_wait3A_353 = tpu.memref_squeeze %dma_wait3A_352 : memref<1x1x64xf32, #tpu.memory_space<hbm>> -> memref<64xf32, #tpu.memory_space<hbm>>
      %dma_wait3A_354 = arith.constant 0 : i32
      %dma_wait3A_355 = tpu.memref_slice %arg8[%add3A_44, %dma_wait3A_354] : memref<512x64xf32, #tpu.memory_space<vmem>> -> memref<1x64xf32, #tpu.memory_space<vmem>>
      %dma_wait3A_356 = tpu.memref_squeeze %dma_wait3A_355 : memref<1x64xf32, #tpu.memory_space<vmem>> -> memref<64xf32, #tpu.memory_space<vmem>>
      %dma_wait3A_357 = arith.constant 0 : i32
      %dma_wait3A_358 = tpu.memref_slice %arg2[%squeeze3A_38, %squeeze3A_40, %dma_wait3A_357] : memref<125000x8x64xf32, #tpu.memory_space<hbm>> -> memref<1x1x64xf32, #tpu.memory_space<hbm>>
      %dma_wait3A_359 = tpu.memref_squeeze %dma_wait3A_358 : memref<1x1x64xf32, #tpu.memory_space<hbm>> -> memref<64xf32, #tpu.memory_space<hbm>>
      tpu.wait_dma2 semaphore(%arg9 : memref<!tpu.dma_semaphore, #tpu.memory_space<semaphore_mem>>) src(%dma_wait3A_359 : memref<64xf32, #tpu.memory_space<hbm>>) dst(%dma_wait3A_356 : memref<64xf32, #tpu.memory_space<vmem>>)
      %dma_wait3A_360 = arith.constant 0 : i32
      %dma_wait3A_361 = tpu.memref_slice %arg8[%add3A_64, %dma_wait3A_360] : memref<512x64xf32, #tpu.memory_space<vmem>> -> memref<1x64xf32, #tpu.memory_space<vmem>>
      %dma_wait3A_362 = tpu.memref_squeeze %dma_wait3A_361 : memref<1x64xf32, #tpu.memory_space<vmem>> -> memref<64xf32, #tpu.memory_space<vmem>>
      %dma_wait3A_363 = arith.constant 0 : i32
      %dma_wait3A_364 = tpu.memref_slice %arg2[%squeeze3A_58, %squeeze3A_60, %dma_wait3A_363] : memref<125000x8x64xf32, #tpu.memory_space<hbm>> -> memref<1x1x64xf32, #tpu.memory_space<hbm>>
      %dma_wait3A_365 = tpu.memref_squeeze %dma_wait3A_364 : memref<1x1x64xf32, #tpu.memory_space<hbm>> -> memref<64xf32, #tpu.memory_space<hbm>>
      %dma_wait3A_366 = arith.constant 0 : i32
      %dma_wait3A_367 = tpu.memref_slice %arg8[%add3A_64, %dma_wait3A_366] : memref<512x64xf32, #tpu.memory_space<vmem>> -> memref<1x64xf32, #tpu.memory_space<vmem>>
      %dma_wait3A_368 = tpu.memref_squeeze %dma_wait3A_367 : memref<1x64xf32, #tpu.memory_space<vmem>> -> memref<64xf32, #tpu.memory_space<vmem>>
      %dma_wait3A_369 = arith.constant 0 : i32
      %dma_wait3A_370 = tpu.memref_slice %arg2[%squeeze3A_58, %squeeze3A_60, %dma_wait3A_369] : memref<125000x8x64xf32, #tpu.memory_space<hbm>> -> memref<1x1x64xf32, #tpu.memory_space<hbm>>
      %dma_wait3A_371 = tpu.memref_squeeze %dma_wait3A_370 : memref<1x1x64xf32, #tpu.memory_space<hbm>> -> memref<64xf32, #tpu.memory_space<hbm>>
      tpu.wait_dma2 semaphore(%arg9 : memref<!tpu.dma_semaphore, #tpu.memory_space<semaphore_mem>>) src(%dma_wait3A_371 : memref<64xf32, #tpu.memory_space<hbm>>) dst(%dma_wait3A_368 : memref<64xf32, #tpu.memory_space<vmem>>)
      %dma_wait3A_372 = arith.constant 0 : i32
      %dma_wait3A_373 = tpu.memref_slice %arg8[%add3A_84, %dma_wait3A_372] : memref<512x64xf32, #tpu.memory_space<vmem>> -> memref<1x64xf32, #tpu.memory_space<vmem>>
      %dma_wait3A_374 = tpu.memref_squeeze %dma_wait3A_373 : memref<1x64xf32, #tpu.memory_space<vmem>> -> memref<64xf32, #tpu.memory_space<vmem>>
      %dma_wait3A_375 = arith.constant 0 : i32
      %dma_wait3A_376 = tpu.memref_slice %arg2[%squeeze3A_78, %squeeze3A_80, %dma_wait3A_375] : memref<125000x8x64xf32, #tpu.memory_space<hbm>> -> memref<1x1x64xf32, #tpu.memory_space<hbm>>
      %dma_wait3A_377 = tpu.memref_squeeze %dma_wait3A_376 : memref<1x1x64xf32, #tpu.memory_space<hbm>> -> memref<64xf32, #tpu.memory_space<hbm>>
      %dma_wait3A_378 = arith.constant 0 : i32
      %dma_wait3A_379 = tpu.memref_slice %arg8[%add3A_84, %dma_wait3A_378] : memref<512x64xf32, #tpu.memory_space<vmem>> -> memref<1x64xf32, #tpu.memory_space<vmem>>
      %dma_wait3A_380 = tpu.memref_squeeze %dma_wait3A_379 : memref<1x64xf32, #tpu.memory_space<vmem>> -> memref<64xf32, #tpu.memory_space<vmem>>
      %dma_wait3A_381 = arith.constant 0 : i32
      %dma_wait3A_382 = tpu.memref_slice %arg2[%squeeze3A_78, %squeeze3A_80, %dma_wait3A_381] : memref<125000x8x64xf32, #tpu.memory_space<hbm>> -> memref<1x1x64xf32, #tpu.memory_space<hbm>>
      %dma_wait3A_383 = tpu.memref_squeeze %dma_wait3A_382 : memref<1x1x64xf32, #tpu.memory_space<hbm>> -> memref<64xf32, #tpu.memory_space<hbm>>
      tpu.wait_dma2 semaphore(%arg9 : memref<!tpu.dma_semaphore, #tpu.memory_space<semaphore_mem>>) src(%dma_wait3A_383 : memref<64xf32, #tpu.memory_space<hbm>>) dst(%dma_wait3A_380 : memref<64xf32, #tpu.memory_space<vmem>>)
      %dma_wait3A_384 = arith.constant 0 : i32
      %dma_wait3A_385 = tpu.memref_slice %arg8[%add3A_104, %dma_wait3A_384] : memref<512x64xf32, #tpu.memory_space<vmem>> -> memref<1x64xf32, #tpu.memory_space<vmem>>
      %dma_wait3A_386 = tpu.memref_squeeze %dma_wait3A_385 : memref<1x64xf32, #tpu.memory_space<vmem>> -> memref<64xf32, #tpu.memory_space<vmem>>
      %dma_wait3A_387 = arith.constant 0 : i32
      %dma_wait3A_388 = tpu.memref_slice %arg2[%squeeze3A_98, %squeeze3A_100, %dma_wait3A_387] : memref<125000x8x64xf32, #tpu.memory_space<hbm>> -> memref<1x1x64xf32, #tpu.memory_space<hbm>>
      %dma_wait3A_389 = tpu.memref_squeeze %dma_wait3A_388 : memref<1x1x64xf32, #tpu.memory_space<hbm>> -> memref<64xf32, #tpu.memory_space<hbm>>
      %dma_wait3A_390 = arith.constant 0 : i32
      %dma_wait3A_391 = tpu.memref_slice %arg8[%add3A_104, %dma_wait3A_390] : memref<512x64xf32, #tpu.memory_space<vmem>> -> memref<1x64xf32, #tpu.memory_space<vmem>>
      %dma_wait3A_392 = tpu.memref_squeeze %dma_wait3A_391 : memref<1x64xf32, #tpu.memory_space<vmem>> -> memref<64xf32, #tpu.memory_space<vmem>>
      %dma_wait3A_393 = arith.constant 0 : i32
      %dma_wait3A_394 = tpu.memref_slice %arg2[%squeeze3A_98, %squeeze3A_100, %dma_wait3A_393] : memref<125000x8x64xf32, #tpu.memory_space<hbm>> -> memref<1x1x64xf32, #tpu.memory_space<hbm>>
      %dma_wait3A_395 = tpu.memref_squeeze %dma_wait3A_394 : memref<1x1x64xf32, #tpu.memory_space<hbm>> -> memref<64xf32, #tpu.memory_space<hbm>>
      tpu.wait_dma2 semaphore(%arg9 : memref<!tpu.dma_semaphore, #tpu.memory_space<semaphore_mem>>) src(%dma_wait3A_395 : memref<64xf32, #tpu.memory_space<hbm>>) dst(%dma_wait3A_392 : memref<64xf32, #tpu.memory_space<vmem>>)
      %dma_wait3A_396 = arith.constant 0 : i32
      %dma_wait3A_397 = tpu.memref_slice %arg8[%add3A_124, %dma_wait3A_396] : memref<512x64xf32, #tpu.memory_space<vmem>> -> memref<1x64xf32, #tpu.memory_space<vmem>>
      %dma_wait3A_398 = tpu.memref_squeeze %dma_wait3A_397 : memref<1x64xf32, #tpu.memory_space<vmem>> -> memref<64xf32, #tpu.memory_space<vmem>>
      %dma_wait3A_399 = arith.constant 0 : i32
      %dma_wait3A_400 = tpu.memref_slice %arg2[%squeeze3A_118, %squeeze3A_120, %dma_wait3A_399] : memref<125000x8x64xf32, #tpu.memory_space<hbm>> -> memref<1x1x64xf32, #tpu.memory_space<hbm>>
      %dma_wait3A_401 = tpu.memref_squeeze %dma_wait3A_400 : memref<1x1x64xf32, #tpu.memory_space<hbm>> -> memref<64xf32, #tpu.memory_space<hbm>>
      %dma_wait3A_402 = arith.constant 0 : i32
      %dma_wait3A_403 = tpu.memref_slice %arg8[%add3A_124, %dma_wait3A_402] : memref<512x64xf32, #tpu.memory_space<vmem>> -> memref<1x64xf32, #tpu.memory_space<vmem>>
      %dma_wait3A_404 = tpu.memref_squeeze %dma_wait3A_403 : memref<1x64xf32, #tpu.memory_space<vmem>> -> memref<64xf32, #tpu.memory_space<vmem>>
      %dma_wait3A_405 = arith.constant 0 : i32
      %dma_wait3A_406 = tpu.memref_slice %arg2[%squeeze3A_118, %squeeze3A_120, %dma_wait3A_405] : memref<125000x8x64xf32, #tpu.memory_space<hbm>> -> memref<1x1x64xf32, #tpu.memory_space<hbm>>
      %dma_wait3A_407 = tpu.memref_squeeze %dma_wait3A_406 : memref<1x1x64xf32, #tpu.memory_space<hbm>> -> memref<64xf32, #tpu.memory_space<hbm>>
      tpu.wait_dma2 semaphore(%arg9 : memref<!tpu.dma_semaphore, #tpu.memory_space<semaphore_mem>>) src(%dma_wait3A_407 : memref<64xf32, #tpu.memory_space<hbm>>) dst(%dma_wait3A_404 : memref<64xf32, #tpu.memory_space<vmem>>)
      %dma_wait3A_408 = arith.constant 0 : i32
      %dma_wait3A_409 = tpu.memref_slice %arg8[%add3A_144, %dma_wait3A_408] : memref<512x64xf32, #tpu.memory_space<vmem>> -> memref<1x64xf32, #tpu.memory_space<vmem>>
      %dma_wait3A_410 = tpu.memref_squeeze %dma_wait3A_409 : memref<1x64xf32, #tpu.memory_space<vmem>> -> memref<64xf32, #tpu.memory_space<vmem>>
      %dma_wait3A_411 = arith.constant 0 : i32
      %dma_wait3A_412 = tpu.memref_slice %arg2[%squeeze3A_138, %squeeze3A_140, %dma_wait3A_411] : memref<125000x8x64xf32, #tpu.memory_space<hbm>> -> memref<1x1x64xf32, #tpu.memory_space<hbm>>
      %dma_wait3A_413 = tpu.memref_squeeze %dma_wait3A_412 : memref<1x1x64xf32, #tpu.memory_space<hbm>> -> memref<64xf32, #tpu.memory_space<hbm>>
      %dma_wait3A_414 = arith.constant 0 : i32
      %dma_wait3A_415 = tpu.memref_slice %arg8[%add3A_144, %dma_wait3A_414] : memref<512x64xf32, #tpu.memory_space<vmem>> -> memref<1x64xf32, #tpu.memory_space<vmem>>
      %dma_wait3A_416 = tpu.memref_squeeze %dma_wait3A_415 : memref<1x64xf32, #tpu.memory_space<vmem>> -> memref<64xf32, #tpu.memory_space<vmem>>
      %dma_wait3A_417 = arith.constant 0 : i32
      %dma_wait3A_418 = tpu.memref_slice %arg2[%squeeze3A_138, %squeeze3A_140, %dma_wait3A_417] : memref<125000x8x64xf32, #tpu.memory_space<hbm>> -> memref<1x1x64xf32, #tpu.memory_space<hbm>>
      %dma_wait3A_419 = tpu.memref_squeeze %dma_wait3A_418 : memref<1x1x64xf32, #tpu.memory_space<hbm>> -> memref<64xf32, #tpu.memory_space<hbm>>
      tpu.wait_dma2 semaphore(%arg9 : memref<!tpu.dma_semaphore, #tpu.memory_space<semaphore_mem>>) src(%dma_wait3A_419 : memref<64xf32, #tpu.memory_space<hbm>>) dst(%dma_wait3A_416 : memref<64xf32, #tpu.memory_space<vmem>>)
      %dma_wait3A_420 = arith.constant 0 : i32
      %dma_wait3A_421 = tpu.memref_slice %arg8[%add3A_164, %dma_wait3A_420] : memref<512x64xf32, #tpu.memory_space<vmem>> -> memref<1x64xf32, #tpu.memory_space<vmem>>
      %dma_wait3A_422 = tpu.memref_squeeze %dma_wait3A_421 : memref<1x64xf32, #tpu.memory_space<vmem>> -> memref<64xf32, #tpu.memory_space<vmem>>
      %dma_wait3A_423 = arith.constant 0 : i32
      %dma_wait3A_424 = tpu.memref_slice %arg2[%squeeze3A_158, %squeeze3A_160, %dma_wait3A_423] : memref<125000x8x64xf32, #tpu.memory_space<hbm>> -> memref<1x1x64xf32, #tpu.memory_space<hbm>>
      %dma_wait3A_425 = tpu.memref_squeeze %dma_wait3A_424 : memref<1x1x64xf32, #tpu.memory_space<hbm>> -> memref<64xf32, #tpu.memory_space<hbm>>
      %dma_wait3A_426 = arith.constant 0 : i32
      %dma_wait3A_427 = tpu.memref_slice %arg8[%add3A_164, %dma_wait3A_426] : memref<512x64xf32, #tpu.memory_space<vmem>> -> memref<1x64xf32, #tpu.memory_space<vmem>>
      %dma_wait3A_428 = tpu.memref_squeeze %dma_wait3A_427 : memref<1x64xf32, #tpu.memory_space<vmem>> -> memref<64xf32, #tpu.memory_space<vmem>>
      %dma_wait3A_429 = arith.constant 0 : i32
      %dma_wait3A_430 = tpu.memref_slice %arg2[%squeeze3A_158, %squeeze3A_160, %dma_wait3A_429] : memref<125000x8x64xf32, #tpu.memory_space<hbm>> -> memref<1x1x64xf32, #tpu.memory_space<hbm>>
      %dma_wait3A_431 = tpu.memref_squeeze %dma_wait3A_430 : memref<1x1x64xf32, #tpu.memory_space<hbm>> -> memref<64xf32, #tpu.memory_space<hbm>>
      tpu.wait_dma2 semaphore(%arg9 : memref<!tpu.dma_semaphore, #tpu.memory_space<semaphore_mem>>) src(%dma_wait3A_431 : memref<64xf32, #tpu.memory_space<hbm>>) dst(%dma_wait3A_428 : memref<64xf32, #tpu.memory_space<vmem>>)
      %dma_wait3A_432 = arith.constant 0 : i32
      %dma_wait3A_433 = tpu.memref_slice %arg8[%add3A_184, %dma_wait3A_432] : memref<512x64xf32, #tpu.memory_space<vmem>> -> memref<1x64xf32, #tpu.memory_space<vmem>>
      %dma_wait3A_434 = tpu.memref_squeeze %dma_wait3A_433 : memref<1x64xf32, #tpu.memory_space<vmem>> -> memref<64xf32, #tpu.memory_space<vmem>>
      %dma_wait3A_435 = arith.constant 0 : i32
      %dma_wait3A_436 = tpu.memref_slice %arg2[%squeeze3A_178, %squeeze3A_180, %dma_wait3A_435] : memref<125000x8x64xf32, #tpu.memory_space<hbm>> -> memref<1x1x64xf32, #tpu.memory_space<hbm>>
      %dma_wait3A_437 = tpu.memref_squeeze %dma_wait3A_436 : memref<1x1x64xf32, #tpu.memory_space<hbm>> -> memref<64xf32, #tpu.memory_space<hbm>>
      %dma_wait3A_438 = arith.constant 0 : i32
      %dma_wait3A_439 = tpu.memref_slice %arg8[%add3A_184, %dma_wait3A_438] : memref<512x64xf32, #tpu.memory_space<vmem>> -> memref<1x64xf32, #tpu.memory_space<vmem>>
      %dma_wait3A_440 = tpu.memref_squeeze %dma_wait3A_439 : memref<1x64xf32, #tpu.memory_space<vmem>> -> memref<64xf32, #tpu.memory_space<vmem>>
      %dma_wait3A_441 = arith.constant 0 : i32
      %dma_wait3A_442 = tpu.memref_slice %arg2[%squeeze3A_178, %squeeze3A_180, %dma_wait3A_441] : memref<125000x8x64xf32, #tpu.memory_space<hbm>> -> memref<1x1x64xf32, #tpu.memory_space<hbm>>
      %dma_wait3A_443 = tpu.memref_squeeze %dma_wait3A_442 : memref<1x1x64xf32, #tpu.memory_space<hbm>> -> memref<64xf32, #tpu.memory_space<hbm>>
      tpu.wait_dma2 semaphore(%arg9 : memref<!tpu.dma_semaphore, #tpu.memory_space<semaphore_mem>>) src(%dma_wait3A_443 : memref<64xf32, #tpu.memory_space<hbm>>) dst(%dma_wait3A_440 : memref<64xf32, #tpu.memory_space<vmem>>)
      %dma_wait3A_444 = arith.constant 0 : i32
      %dma_wait3A_445 = tpu.memref_slice %arg8[%add3A_204, %dma_wait3A_444] : memref<512x64xf32, #tpu.memory_space<vmem>> -> memref<1x64xf32, #tpu.memory_space<vmem>>
      %dma_wait3A_446 = tpu.memref_squeeze %dma_wait3A_445 : memref<1x64xf32, #tpu.memory_space<vmem>> -> memref<64xf32, #tpu.memory_space<vmem>>
      %dma_wait3A_447 = arith.constant 0 : i32
      %dma_wait3A_448 = tpu.memref_slice %arg2[%squeeze3A_198, %squeeze3A_200, %dma_wait3A_447] : memref<125000x8x64xf32, #tpu.memory_space<hbm>> -> memref<1x1x64xf32, #tpu.memory_space<hbm>>
      %dma_wait3A_449 = tpu.memref_squeeze %dma_wait3A_448 : memref<1x1x64xf32, #tpu.memory_space<hbm>> -> memref<64xf32, #tpu.memory_space<hbm>>
      %dma_wait3A_450 = arith.constant 0 : i32
      %dma_wait3A_451 = tpu.memref_slice %arg8[%add3A_204, %dma_wait3A_450] : memref<512x64xf32, #tpu.memory_space<vmem>> -> memref<1x64xf32, #tpu.memory_space<vmem>>
      %dma_wait3A_452 = tpu.memref_squeeze %dma_wait3A_451 : memref<1x64xf32, #tpu.memory_space<vmem>> -> memref<64xf32, #tpu.memory_space<vmem>>
      %dma_wait3A_453 = arith.constant 0 : i32
      %dma_wait3A_454 = tpu.memref_slice %arg2[%squeeze3A_198, %squeeze3A_200, %dma_wait3A_453] : memref<125000x8x64xf32, #tpu.memory_space<hbm>> -> memref<1x1x64xf32, #tpu.memory_space<hbm>>
      %dma_wait3A_455 = tpu.memref_squeeze %dma_wait3A_454 : memref<1x1x64xf32, #tpu.memory_space<hbm>> -> memref<64xf32, #tpu.memory_space<hbm>>
      tpu.wait_dma2 semaphore(%arg9 : memref<!tpu.dma_semaphore, #tpu.memory_space<semaphore_mem>>) src(%dma_wait3A_455 : memref<64xf32, #tpu.memory_space<hbm>>) dst(%dma_wait3A_452 : memref<64xf32, #tpu.memory_space<vmem>>)
      %dma_wait3A_456 = arith.constant 0 : i32
      %dma_wait3A_457 = tpu.memref_slice %arg8[%add3A_224, %dma_wait3A_456] : memref<512x64xf32, #tpu.memory_space<vmem>> -> memref<1x64xf32, #tpu.memory_space<vmem>>
      %dma_wait3A_458 = tpu.memref_squeeze %dma_wait3A_457 : memref<1x64xf32, #tpu.memory_space<vmem>> -> memref<64xf32, #tpu.memory_space<vmem>>
      %dma_wait3A_459 = arith.constant 0 : i32
      %dma_wait3A_460 = tpu.memref_slice %arg2[%squeeze3A_218, %squeeze3A_220, %dma_wait3A_459] : memref<125000x8x64xf32, #tpu.memory_space<hbm>> -> memref<1x1x64xf32, #tpu.memory_space<hbm>>
      %dma_wait3A_461 = tpu.memref_squeeze %dma_wait3A_460 : memref<1x1x64xf32, #tpu.memory_space<hbm>> -> memref<64xf32, #tpu.memory_space<hbm>>
      %dma_wait3A_462 = arith.constant 0 : i32
      %dma_wait3A_463 = tpu.memref_slice %arg8[%add3A_224, %dma_wait3A_462] : memref<512x64xf32, #tpu.memory_space<vmem>> -> memref<1x64xf32, #tpu.memory_space<vmem>>
      %dma_wait3A_464 = tpu.memref_squeeze %dma_wait3A_463 : memref<1x64xf32, #tpu.memory_space<vmem>> -> memref<64xf32, #tpu.memory_space<vmem>>
      %dma_wait3A_465 = arith.constant 0 : i32
      %dma_wait3A_466 = tpu.memref_slice %arg2[%squeeze3A_218, %squeeze3A_220, %dma_wait3A_465] : memref<125000x8x64xf32, #tpu.memory_space<hbm>> -> memref<1x1x64xf32, #tpu.memory_space<hbm>>
      %dma_wait3A_467 = tpu.memref_squeeze %dma_wait3A_466 : memref<1x1x64xf32, #tpu.memory_space<hbm>> -> memref<64xf32, #tpu.memory_space<hbm>>
      tpu.wait_dma2 semaphore(%arg9 : memref<!tpu.dma_semaphore, #tpu.memory_space<semaphore_mem>>) src(%dma_wait3A_467 : memref<64xf32, #tpu.memory_space<hbm>>) dst(%dma_wait3A_464 : memref<64xf32, #tpu.memory_space<vmem>>)
      %dma_wait3A_468 = arith.constant 0 : i32
      %dma_wait3A_469 = tpu.memref_slice %arg8[%add3A_244, %dma_wait3A_468] : memref<512x64xf32, #tpu.memory_space<vmem>> -> memref<1x64xf32, #tpu.memory_space<vmem>>
      %dma_wait3A_470 = tpu.memref_squeeze %dma_wait3A_469 : memref<1x64xf32, #tpu.memory_space<vmem>> -> memref<64xf32, #tpu.memory_space<vmem>>
      %dma_wait3A_471 = arith.constant 0 : i32
      %dma_wait3A_472 = tpu.memref_slice %arg2[%squeeze3A_238, %squeeze3A_240, %dma_wait3A_471] : memref<125000x8x64xf32, #tpu.memory_space<hbm>> -> memref<1x1x64xf32, #tpu.memory_space<hbm>>
      %dma_wait3A_473 = tpu.memref_squeeze %dma_wait3A_472 : memref<1x1x64xf32, #tpu.memory_space<hbm>> -> memref<64xf32, #tpu.memory_space<hbm>>
      %dma_wait3A_474 = arith.constant 0 : i32
      %dma_wait3A_475 = tpu.memref_slice %arg8[%add3A_244, %dma_wait3A_474] : memref<512x64xf32, #tpu.memory_space<vmem>> -> memref<1x64xf32, #tpu.memory_space<vmem>>
      %dma_wait3A_476 = tpu.memref_squeeze %dma_wait3A_475 : memref<1x64xf32, #tpu.memory_space<vmem>> -> memref<64xf32, #tpu.memory_space<vmem>>
      %dma_wait3A_477 = arith.constant 0 : i32
      %dma_wait3A_478 = tpu.memref_slice %arg2[%squeeze3A_238, %squeeze3A_240, %dma_wait3A_477] : memref<125000x8x64xf32, #tpu.memory_space<hbm>> -> memref<1x1x64xf32, #tpu.memory_space<hbm>>
      %dma_wait3A_479 = tpu.memref_squeeze %dma_wait3A_478 : memref<1x1x64xf32, #tpu.memory_space<hbm>> -> memref<64xf32, #tpu.memory_space<hbm>>
      tpu.wait_dma2 semaphore(%arg9 : memref<!tpu.dma_semaphore, #tpu.memory_space<semaphore_mem>>) src(%dma_wait3A_479 : memref<64xf32, #tpu.memory_space<hbm>>) dst(%dma_wait3A_476 : memref<64xf32, #tpu.memory_space<vmem>>)
      %dma_wait3A_480 = arith.constant 0 : i32
      %dma_wait3A_481 = tpu.memref_slice %arg8[%add3A_264, %dma_wait3A_480] : memref<512x64xf32, #tpu.memory_space<vmem>> -> memref<1x64xf32, #tpu.memory_space<vmem>>
      %dma_wait3A_482 = tpu.memref_squeeze %dma_wait3A_481 : memref<1x64xf32, #tpu.memory_space<vmem>> -> memref<64xf32, #tpu.memory_space<vmem>>
      %dma_wait3A_483 = arith.constant 0 : i32
      %dma_wait3A_484 = tpu.memref_slice %arg2[%squeeze3A_258, %squeeze3A_260, %dma_wait3A_483] : memref<125000x8x64xf32, #tpu.memory_space<hbm>> -> memref<1x1x64xf32, #tpu.memory_space<hbm>>
      %dma_wait3A_485 = tpu.memref_squeeze %dma_wait3A_484 : memref<1x1x64xf32, #tpu.memory_space<hbm>> -> memref<64xf32, #tpu.memory_space<hbm>>
      %dma_wait3A_486 = arith.constant 0 : i32
      %dma_wait3A_487 = tpu.memref_slice %arg8[%add3A_264, %dma_wait3A_486] : memref<512x64xf32, #tpu.memory_space<vmem>> -> memref<1x64xf32, #tpu.memory_space<vmem>>
      %dma_wait3A_488 = tpu.memref_squeeze %dma_wait3A_487 : memref<1x64xf32, #tpu.memory_space<vmem>> -> memref<64xf32, #tpu.memory_space<vmem>>
      %dma_wait3A_489 = arith.constant 0 : i32
      %dma_wait3A_490 = tpu.memref_slice %arg2[%squeeze3A_258, %squeeze3A_260, %dma_wait3A_489] : memref<125000x8x64xf32, #tpu.memory_space<hbm>> -> memref<1x1x64xf32, #tpu.memory_space<hbm>>
      %dma_wait3A_491 = tpu.memref_squeeze %dma_wait3A_490 : memref<1x1x64xf32, #tpu.memory_space<hbm>> -> memref<64xf32, #tpu.memory_space<hbm>>
      tpu.wait_dma2 semaphore(%arg9 : memref<!tpu.dma_semaphore, #tpu.memory_space<semaphore_mem>>) src(%dma_wait3A_491 : memref<64xf32, #tpu.memory_space<hbm>>) dst(%dma_wait3A_488 : memref<64xf32, #tpu.memory_space<vmem>>)
      %dma_wait3A_492 = arith.constant 0 : i32
      %dma_wait3A_493 = tpu.memref_slice %arg8[%add3A_284, %dma_wait3A_492] : memref<512x64xf32, #tpu.memory_space<vmem>> -> memref<1x64xf32, #tpu.memory_space<vmem>>
      %dma_wait3A_494 = tpu.memref_squeeze %dma_wait3A_493 : memref<1x64xf32, #tpu.memory_space<vmem>> -> memref<64xf32, #tpu.memory_space<vmem>>
      %dma_wait3A_495 = arith.constant 0 : i32
      %dma_wait3A_496 = tpu.memref_slice %arg2[%squeeze3A_278, %squeeze3A_280, %dma_wait3A_495] : memref<125000x8x64xf32, #tpu.memory_space<hbm>> -> memref<1x1x64xf32, #tpu.memory_space<hbm>>
      %dma_wait3A_497 = tpu.memref_squeeze %dma_wait3A_496 : memref<1x1x64xf32, #tpu.memory_space<hbm>> -> memref<64xf32, #tpu.memory_space<hbm>>
      %dma_wait3A_498 = arith.constant 0 : i32
      %dma_wait3A_499 = tpu.memref_slice %arg8[%add3A_284, %dma_wait3A_498] : memref<512x64xf32, #tpu.memory_space<vmem>> -> memref<1x64xf32, #tpu.memory_space<vmem>>
      %dma_wait3A_500 = tpu.memref_squeeze %dma_wait3A_499 : memref<1x64xf32, #tpu.memory_space<vmem>> -> memref<64xf32, #tpu.memory_space<vmem>>
      %dma_wait3A_501 = arith.constant 0 : i32
      %dma_wait3A_502 = tpu.memref_slice %arg2[%squeeze3A_278, %squeeze3A_280, %dma_wait3A_501] : memref<125000x8x64xf32, #tpu.memory_space<hbm>> -> memref<1x1x64xf32, #tpu.memory_space<hbm>>
      %dma_wait3A_503 = tpu.memref_squeeze %dma_wait3A_502 : memref<1x1x64xf32, #tpu.memory_space<hbm>> -> memref<64xf32, #tpu.memory_space<hbm>>
      tpu.wait_dma2 semaphore(%arg9 : memref<!tpu.dma_semaphore, #tpu.memory_space<semaphore_mem>>) src(%dma_wait3A_503 : memref<64xf32, #tpu.memory_space<hbm>>) dst(%dma_wait3A_500 : memref<64xf32, #tpu.memory_space<vmem>>)
      %dma_wait3A_504 = arith.constant 0 : i32
      %dma_wait3A_505 = tpu.memref_slice %arg8[%add3A_304, %dma_wait3A_504] : memref<512x64xf32, #tpu.memory_space<vmem>> -> memref<1x64xf32, #tpu.memory_space<vmem>>
      %dma_wait3A_506 = tpu.memref_squeeze %dma_wait3A_505 : memref<1x64xf32, #tpu.memory_space<vmem>> -> memref<64xf32, #tpu.memory_space<vmem>>
      %dma_wait3A_507 = arith.constant 0 : i32
      %dma_wait3A_508 = tpu.memref_slice %arg2[%squeeze3A_298, %squeeze3A_300, %dma_wait3A_507] : memref<125000x8x64xf32, #tpu.memory_space<hbm>> -> memref<1x1x64xf32, #tpu.memory_space<hbm>>
      %dma_wait3A_509 = tpu.memref_squeeze %dma_wait3A_508 : memref<1x1x64xf32, #tpu.memory_space<hbm>> -> memref<64xf32, #tpu.memory_space<hbm>>
      %dma_wait3A_510 = arith.constant 0 : i32
      %dma_wait3A_511 = tpu.memref_slice %arg8[%add3A_304, %dma_wait3A_510] : memref<512x64xf32, #tpu.memory_space<vmem>> -> memref<1x64xf32, #tpu.memory_space<vmem>>
      %dma_wait3A_512 = tpu.memref_squeeze %dma_wait3A_511 : memref<1x64xf32, #tpu.memory_space<vmem>> -> memref<64xf32, #tpu.memory_space<vmem>>
      %dma_wait3A_513 = arith.constant 0 : i32
      %dma_wait3A_514 = tpu.memref_slice %arg2[%squeeze3A_298, %squeeze3A_300, %dma_wait3A_513] : memref<125000x8x64xf32, #tpu.memory_space<hbm>> -> memref<1x1x64xf32, #tpu.memory_space<hbm>>
      %dma_wait3A_515 = tpu.memref_squeeze %dma_wait3A_514 : memref<1x1x64xf32, #tpu.memory_space<hbm>> -> memref<64xf32, #tpu.memory_space<hbm>>
      tpu.wait_dma2 semaphore(%arg9 : memref<!tpu.dma_semaphore, #tpu.memory_space<semaphore_mem>>) src(%dma_wait3A_515 : memref<64xf32, #tpu.memory_space<hbm>>) dst(%dma_wait3A_512 : memref<64xf32, #tpu.memory_space<vmem>>)
      %dma_wait3A_516 = arith.constant 0 : i32
      %dma_wait3A_517 = tpu.memref_slice %arg8[%add3A_324, %dma_wait3A_516] : memref<512x64xf32, #tpu.memory_space<vmem>> -> memref<1x64xf32, #tpu.memory_space<vmem>>
      %dma_wait3A_518 = tpu.memref_squeeze %dma_wait3A_517 : memref<1x64xf32, #tpu.memory_space<vmem>> -> memref<64xf32, #tpu.memory_space<vmem>>
      %dma_wait3A_519 = arith.constant 0 : i32
      %dma_wait3A_520 = tpu.memref_slice %arg2[%squeeze3A_318, %squeeze3A_320, %dma_wait3A_519] : memref<125000x8x64xf32, #tpu.memory_space<hbm>> -> memref<1x1x64xf32, #tpu.memory_space<hbm>>
      %dma_wait3A_521 = tpu.memref_squeeze %dma_wait3A_520 : memref<1x1x64xf32, #tpu.memory_space<hbm>> -> memref<64xf32, #tpu.memory_space<hbm>>
      %dma_wait3A_522 = arith.constant 0 : i32
      %dma_wait3A_523 = tpu.memref_slice %arg8[%add3A_324, %dma_wait3A_522] : memref<512x64xf32, #tpu.memory_space<vmem>> -> memref<1x64xf32, #tpu.memory_space<vmem>>
      %dma_wait3A_524 = tpu.memref_squeeze %dma_wait3A_523 : memref<1x64xf32, #tpu.memory_space<vmem>> -> memref<64xf32, #tpu.memory_space<vmem>>
      %dma_wait3A_525 = arith.constant 0 : i32
      %dma_wait3A_526 = tpu.memref_slice %arg2[%squeeze3A_318, %squeeze3A_320, %dma_wait3A_525] : memref<125000x8x64xf32, #tpu.memory_space<hbm>> -> memref<1x1x64xf32, #tpu.memory_space<hbm>>
      %dma_wait3A_527 = tpu.memref_squeeze %dma_wait3A_526 : memref<1x1x64xf32, #tpu.memory_space<hbm>> -> memref<64xf32, #tpu.memory_space<hbm>>
      tpu.wait_dma2 semaphore(%arg9 : memref<!tpu.dma_semaphore, #tpu.memory_space<semaphore_mem>>) src(%dma_wait3A_527 : memref<64xf32, #tpu.memory_space<hbm>>) dst(%dma_wait3A_524 : memref<64xf32, #tpu.memory_space<vmem>>)
      %scan3A_528 = arith.constant 0 : i32
      scf.yield %scan3A_528 : i32
    }
    %scan3A_8 = arith.constant 32 : i32
    "tpu.region"() ({
      %run_scoped3A = tpu.sem_alloc : memref<!tpu.dma_semaphore, #tpu.memory_space<semaphore_mem>>
      %dma_start3A = arith.constant 0 : i32
      %dma_start3A_9 = tpu.memref_slice %arg5[%mul3A_2, %dma_start3A] : memref<16384x64xf32, #tpu.memory_space<hbm>> -> memref<512x64xf32, #tpu.memory_space<hbm>>
      %dma_start3A_10 = arith.constant 0 : i32
      %dma_start3A_11 = tpu.memref_slice %arg5[%mul3A_2, %dma_start3A_10] : memref<16384x64xf32, #tpu.memory_space<hbm>> -> memref<512x64xf32, #tpu.memory_space<hbm>>
      tpu.enqueue_dma source(%arg8 : memref<512x64xf32, #tpu.memory_space<vmem>>) target(%dma_start3A_11 : memref<512x64xf32, #tpu.memory_space<hbm>>) target_semaphore(%run_scoped3A : memref<!tpu.dma_semaphore, #tpu.memory_space<semaphore_mem>>)
      %dma_wait3A = arith.constant 0 : i32
      %dma_wait3A_12 = tpu.memref_slice %arg5[%mul3A_2, %dma_wait3A] : memref<16384x64xf32, #tpu.memory_space<hbm>> -> memref<512x64xf32, #tpu.memory_space<hbm>>
      %dma_wait3A_13 = arith.constant 0 : i32
      %dma_wait3A_14 = tpu.memref_slice %arg5[%mul3A_2, %dma_wait3A_13] : memref<16384x64xf32, #tpu.memory_space<hbm>> -> memref<512x64xf32, #tpu.memory_space<hbm>>
      tpu.wait_dma2 semaphore(%run_scoped3A : memref<!tpu.dma_semaphore, #tpu.memory_space<semaphore_mem>>) src(%arg8 : memref<512x64xf32, #tpu.memory_space<vmem>>) dst(%dma_wait3A_14 : memref<512x64xf32, #tpu.memory_space<hbm>>)
      tpu.yield
    }) : () -> ()
    return
  }
}

module attributes {stable_mosaic.version = 14 : i64} {
  func.func @_proj_body(%arg0: i32, %arg1: memref<2048x64xf32, #tpu.memory_space<vmem>>, %arg2: memref<64x64xf32, #tpu.memory_space<vmem>>, %arg3: memref<1x64xf32, #tpu.memory_space<vmem>>, %arg4: memref<2048x64xf32, #tpu.memory_space<vmem>>) attributes {dimension_semantics = [#tpu.dimension_semantics<arbitrary>], iteration_bounds = array<i64: 8>, scalar_prefetch = 0 : i64, scratch_operands = 0 : i64, tpu.core_type = #tpu.core_type<tc>, window_params = [{transform_indices = @transform_0, window_bounds = array<i64: 2048, 64>}, {pipeline_mode = #tpu.pipeline_mode<synchronous>, transform_indices = @transform_1, window_bounds = array<i64: 64, 64>}, {pipeline_mode = #tpu.pipeline_mode<synchronous>, transform_indices = @transform_2, window_bounds = array<i64: 1, 64>}, {transform_indices = @transform_3, window_bounds = array<i64: 2048, 64>}]} {
    %get3A = arith.constant 0 : index
    %get3A_0 = arith.constant 0 : index
    %get3A_1 = vector.load %arg1[%get3A, %get3A_0] : memref<2048x64xf32, #tpu.memory_space<vmem>>, vector<2048x64xf32>
    %get3A_2 = arith.constant 0 : index
    %get3A_3 = arith.constant 0 : index
    %get3A_4 = vector.load %arg2[%get3A_2, %get3A_3] : memref<64x64xf32, #tpu.memory_space<vmem>>, vector<64x64xf32>
    %dot_general3A = arith.constant dense<0.000000e+00> : vector<2048x64xf32>
    %dot_general3A_5 = tpu.matmul %get3A_1, %get3A_4, %dot_general3A {dimension_numbers = #tpu.dot_dimension_numbers<[1], [0], [0], [1], [0, 0, 1, 1], [], []>, transpose_lhs_hint = false} : vector<2048x64xf32>, vector<64x64xf32>, vector<2048x64xf32> -> vector<2048x64xf32>
    %get3A_6 = arith.constant 0 : index
    %get3A_7 = arith.constant 0 : index
    %get3A_8 = vector.load %arg3[%get3A_6, %get3A_7] : memref<1x64xf32, #tpu.memory_space<vmem>>, vector<1x64xf32>
    %add3A = vector.broadcast %get3A_8 : vector<1x64xf32> to vector<2048x64xf32>
    %add3A_9 = arith.addf %dot_general3A_5, %add3A : vector<2048x64xf32>
    %swap3A = arith.constant 0 : index
    %swap3A_10 = arith.constant 0 : index
    %swap3A_11 = vector.load %arg4[%swap3A, %swap3A_10] : memref<2048x64xf32, #tpu.memory_space<vmem>>, vector<2048x64xf32>
    tpu.vector_store %arg4[%swap3A, %swap3A_10], %add3A_9 {strides = array<i32>} : memref<2048x64xf32, #tpu.memory_space<vmem>>, vector<2048x64xf32>,
    return
  }
  func.func @transform_0(%arg0: i32) -> (i32, i32) {
    %c0_i32 = arith.constant 0 : i32
    %c0_i32_0 = arith.constant 0 : i32
    return %arg0, %c0_i32 : i32, i32
  }
  func.func @transform_1(%arg0: i32) -> (i32, i32) {
    %c0_i32 = arith.constant 0 : i32
    %c0_i32_0 = arith.constant 0 : i32
    %c0_i32_1 = arith.constant 0 : i32
    return %c0_i32, %c0_i32_0 : i32, i32
  }
  func.func @transform_2(%arg0: i32) -> (i32, i32) {
    %c0_i32 = arith.constant 0 : i32
    %c0_i32_0 = arith.constant 0 : i32
    %c0_i32_1 = arith.constant 0 : i32
    return %c0_i32, %c0_i32_0 : i32, i32
  }
  func.func @transform_3(%arg0: i32) -> (i32, i32) {
    %c0_i32 = arith.constant 0 : i32
    %c0_i32_0 = arith.constant 0 : i32
    return %arg0, %c0_i32 : i32, i32
  }
}

</mosaic_0001>

<sc_bundles>
// kernel: kernel.4.cloned.1.call-start
scs
__scs_entry_jumppad:
0x0: {  	(pc) =	sbr.rel $0x88, $3  }
0x1: {  	(tag) =	ssettag $0x0;
	lr =	simm.s32 $0x1  }
0x2: {  	[smem:$0x3F9D] =	sst lr;
	_ =	strace $0xD0000000  }
0x3: {  	_ = 	snop  }
0x4: {  	_ = 	snop  }
0x5: {  	_ = 	snop  }
0x6: {  	_ = 	snop  }
0x7: {  	_ = 	snop  }
__scs_overlays_trampoline_lowered:
0x8: {  	[smem:$0x3FAC] =	sst s0  }
0x9: {  	[smem:$0x3FAD] =	sst s1  }
0xa: {  	[smem:$0x3FAE] =	sst s2  }
0xb: {  	[smem:$0x3FAF] =	sst s3  }
0xc: {  	[smem:$0x3FB0] =	sst s4  }
0xd: {  	[smem:$0x3FB1] =	sst s5  }
0xe: {  	[smem:$0x3FB2] =	sst s6  }
0xf: {  	[smem:$0x3FB3] =	sst s7  }
0x10: {  	[smem:$0x3FB4] =	sst s8  }
0x11: {  	[smem:$0x3FB5] =	sst s9;
	s0 =	simm.s32 @!p0 $0x0  }
0x12: {  	s1 =	sld [smem:$0x3F9B];
	s0 =	simm.s32 @p0 $0x1  }
0x13: {  	[smem:$0x3FB6] =	sst s0;
	s0 =	simm.s32 @!p1 $0x0  }
0x14: {  	s2 =	sld [smem:$0x3F9A];
	s0 =	simm.s32 @p1 $0x1  }
0x15: {  	[smem:$0x3FB7] =	sst s0;
	s0 =	simm.s32 @!p2 $0x0  }
0x16: {  	s3 =	sld [smem:$0x3FDB];
	s0 =	simm.s32 @p2 $0x1  }
0x17: {  	s4 =	simm.s32 $0x1BF5;
	[smem:$0x3FB9] =	sst s0  }
0x18: {  	s0 =	sld [smem:$0x3F9C];
	_ =	swait.ge [sflag:s4], $0x0  }
0x19: {  	s7 =	sld [smem:$0x3F9D]  }
0x1a: {  	s8 =	sadd.s32 $0xFFFFE003, lr  }
0x1b: {  	s9 =	sadd.s32 $0xFFFFFEF7, lr;
	s5 =	simm.s32 $0xFFFFFFFF;
	p2 =	slt.u32 s8, $0xFFFFF086  }
0x1c: {  	p1 =	slt.u32 s9, $0xF7A;
	s5 =	simm.s32 @!p2 $0x0  }
0x1d: {  	s5 =	simm.s32 @p1 $0x1;
	p0 =	seq.s32 s7, s2  }
0x1e: {  	s7 =	smul.u32 @!p0 $0xF7A, s2;
	p2 =	seq.s32 @!p0 s5, $0x0  }
0x1f: {  	s9 =	smul.u32 $0xF7A, s1;
	s8 =	simm.s32 @!p0 $0x1BF5;
	p2 =	por !p2, p0  }
0x20: {  	[sflag:s8] =	ssyncset.s32 @!p0 $0xFFFFF086;
	s6 =	sadd.s32 @!p0 s3, s7;
	s7 =	simm.s32 @!p0 $0x108  }
0x21: {  	s3 =	sadd.s32 s3, s9;
	s6 =	sadd.s32 @!p0 $0x88, s6;
	s7 =	simm.s32 @p2 $0x1082  }
0x22: {  	[simem:s7], [sflag:s8] =	dma.local @!p0 [hbm:s6], $0xF7A  }
0x23: {  	s9 =	sor.u32 $0xD0000000, s2;
	s6 =	simm.s32 $0x108;
	_ =	swait.ge @!p0 [sflag:s8], $0x0  }
0x24: {  	s3 =	sadd.s32 $0x88, s3;
	s6 =	simm.s32 @!p1 $0x1082;
	[sflag:s4] =	ssyncset.s32 $0xFFFFF086  }
0x25: {  	[simem:s6], [sflag:s4] =	dma.local [hbm:s3], $0xF7A  }
0x26: {  	[smem:$0x3F9D] =	sst s1;
	(tag) =	ssettag s2;
	_ =	strace s9  }
0x27: {  	s1 =	sld [smem:$0x3FAD]  }
0x28: {  	s2 =	sld [smem:$0x3FAE]  }
0x29: {  	s4 =	sld [smem:$0x3FB0]  }
0x2a: {  	p0 =	seq.s32 s5, $0x0;
	s5 =	sld [smem:$0x3FB1]  }
0x2b: {  	s6 =	sld [smem:$0x3FB2]  }
0x2c: {  	s7 =	sld [smem:$0x3FB3]  }
0x2d: {  	s3 =	simm.s32 $0x108;
	s8 =	sld [smem:$0x3FB4]  }
0x2e: {  	s3 =	simm.s32 @!p0 $0x1082;
	s9 =	sld [smem:$0x3FB5]  }
0x2f: {  	lr =	sadd.s32 s0, s3;
	s0 =	sld [smem:$0x3FAC]  }
0x30: {  	s3 =	sld [smem:$0x3FAF]  }
0x31: {  	[smem:$0x3FB8] =	sst s10  }
0x32: {  	s10 =	sld [smem:$0x3FB6];
	_ =	sdelay $0x3  }
0x33: {  	p0 =	seq.s32 s10, $0x1;
	s10 =	sld [smem:$0x3FB8];
	_ =	sdelay $0x3  }
0x34: {  	[smem:$0x3FB8] =	sst s10  }
0x35: {  	s10 =	sld [smem:$0x3FB7];
	_ =	sdelay $0x3  }
0x36: {  	p1 =	seq.s32 s10, $0x1;
	s10 =	sld [smem:$0x3FB8];
	_ =	sdelay $0x3  }
0x37: {  	[smem:$0x3FB8] =	sst s10  }
0x38: {  	s10 =	sld [smem:$0x3FB9]  }
0x39: {  	_ = 	snop;
	(pc) =	sbr.ind lr, $3  }
0x3a: {  	_ = 	snop  }
0x3b: {  	_ = 	snop  }
0x3c: {  	p2 =	seq.s32 s10, $0x1;
	s10 =	sld [smem:$0x3FB8]  }
0x3d: {  	_ =	shalt  }
0x3e: {  	_ =	shalt  }
0x3f: {  	_ =	shalt  }
0x40: {  	_ =	shalt  }
0x41: {  	_ =	shalt  }
0x42: {  	_ =	shalt  }
0x43: {  	_ =	shalt  }
0x44: {  	_ =	shalt  }
0x45: {  	_ =	shalt  }
0x46: {  	_ =	shalt  }
0x47: {  	_ =	shalt  }
0x48: {  	_ =	shalt  }
0x49: {  	_ =	shalt  }
0x4a: {  	_ =	shalt  }
0x4b: {  	_ =	shalt  }
0x4c: {  	_ =	shalt  }
0x4d: {  	_ =	shalt  }
0x4e: {  	_ =	shalt  }
0x4f: {  	_ =	shalt  }
0x50: {  	_ =	shalt  }
0x51: {  	_ =	shalt  }
0x52: {  	_ =	shalt  }
0x53: {  	_ =	shalt  }
0x54: {  	_ =	shalt  }
0x55: {  	_ =	shalt  }
0x56: {  	_ =	shalt  }
0x57: {  	_ =	shalt  }
0x58: {  	_ =	shalt  }
0x59: {  	_ =	shalt  }
0x5a: {  	_ =	shalt  }
0x5b: {  	_ =	shalt  }
0x5c: {  	_ =	shalt  }
0x5d: {  	_ =	shalt  }
0x5e: {  	_ =	shalt  }
0x5f: {  	_ =	shalt  }
0x60: {  	_ =	shalt  }
0x61: {  	_ =	shalt  }
0x62: {  	_ =	shalt  }
0x63: {  	_ =	shalt  }
0x64: {  	_ =	shalt  }
0x65: {  	_ =	shalt  }
0x66: {  	_ =	shalt  }
0x67: {  	_ =	shalt  }
0x68: {  	_ =	shalt  }
0x69: {  	_ =	shalt  }
0x6a: {  	_ =	shalt  }
0x6b: {  	_ =	shalt  }
0x6c: {  	_ =	shalt  }
0x6d: {  	_ =	shalt  }
0x6e: {  	_ =	shalt  }
0x6f: {  	_ =	shalt  }
0x70: {  	_ =	shalt  }
0x71: {  	_ =	shalt  }
0x72: {  	_ =	shalt  }
0x73: {  	_ =	shalt  }
0x74: {  	_ =	shalt  }
0x75: {  	_ =	shalt  }
0x76: {  	_ =	shalt  }
0x77: {  	_ =	shalt  }
0x78: {  	_ =	shalt  }
0x79: {  	_ =	shalt  }
0x7a: {  	_ =	shalt  }
0x7b: {  	_ =	shalt  }
0x7c: {  	_ =	shalt  }
0x7d: {  	_ =	shalt  }
0x7e: {  	_ =	shalt  }
0x7f: {  	_ =	shalt  }
0x80: {  	_ =	shalt  }
0x81: {  	_ =	shalt  }
0x82: {  	_ =	shalt  }
0x83: {  	_ =	shalt  }
0x84: {  	_ =	shalt  }
0x85: {  	_ =	shalt  }
0x86: {  	_ =	shalt  }
0x87: {  	_ =	shalt  }
.Lfunc_end0:
.L_simem_size_0:
called_computation_lowered:
.L_overlay_start_0:
0x88: {  	s2 =	sld [smem:$0x3FD9]  }
0x89: {  	s3 =	sld [smem:$0x3FFE];
	_ =	sdelay $0x1  }
0x8a: {  	s1 =	srdreg.scid  }
0x8b: {  	s0 =	sand.u32 $0x1, s1  }
0x8c: {  	s17 =	sshll.u32 s0, $0xA;
	s2 =	sadd.s32 s3, s2  }
0x8d: {  	s2 =	sadd.s32 s2, s17  }
0x8e: {  	[smem:$0x3FC4] =	sst s2  }
0x8f: {  	_ = 	snop  }
0x90: {  	s2 =	sld [smem:$0x3FD0];
	(tm) =	ssettm $0x1  }
0x91: {  	s18 =	sld [smem:$0x3FFB];
	_ =	sdelay $0x3  }
0x92: {  	_ =	strace s18  }
0x93: {  	s3 =	sld [smem:$0x3FFC];
	_ =	sdelay $0x3  }
0x94: {  	_ =	strace s3  }
0x95: {  	s3 =	sld [smem:$0x3FFD];
	_ =	sdelay $0x3  }
0x96: {  	_ =	strace s3  }
0x97: {  	_ =	strace $0x8FFFFFFF  }
0x98: {  	s19 =	sld [smem:$0x3FDB];
	_ =	sdelay $0x1  }
0x99: {  	s4 =	simm.s32 $_scs_section_size  }
0x9a: {  	s5 =	simm.s32 $_size__tile_overlayer_lowered;
	s6 =	simm.s32 $_tile_overlayer_lowered  }
0x9b: {  	s22 =	simm.s32 $0x1BFF;
	s21 =	sshll.u32 s6, $0x1;
	s3 =	sadd.s32 s4, s19  }
0x9c: {  	s7 =	simm.s32 $0x0;
	s20 =	sshll.u32 s5, $0x1;
	s5 =	sadd.s32 s21, s3  }
0x9d: {  	[timem:s7], [sflag:s22] =	dma.local [hbm:s5], s20  }
0x9e: {  	_ =	swait.ge [sflag:s22], s20  }
0x9f: {  	s4 =	ssub.s32 $0x0, s20;
	[sflag:s22] =	ssyncset.done $0x0  }
0xa0: {  	[sflag:s22] =	ssyncadd.s32 s4;
	_ =	sdelay $0x1  }
0xa1: {  	s23 =	simm.s32 $0x1B8B  }
0xa2: {  	_ =	swait.ge [sflag:s23], $0x1  }
0xa3: {  	[sflag:s23] =	ssyncset.done $0x0  }
0xa4: {  	s25 =	simm.s32 $0x1B8E;
	s24 =	sld [smem:$0x3FFE];
	[sflag:s23] =	ssyncadd.s32 $0xFFFFFFFF  }
0xa5: {  	s26 =	simm.s32 $execute0_lowered;
	[smem:$0x3FD2] =	sst s25  }
0xa6: {  	s5 =	sshll.u32 s26, $0x1;
	_ =	strace $0x80000046;
	[dreg:$0x1] =	wrdreg $0xFFFFFFFF  }
0xa7: {  	s28 =	simm.s32 $_size_execute0_lowered;
	s3 =	sadd.s32 s3, s5;
	[dreg:$0x0] =	wrdreg $0x0  }
0xa8: {  	s5 =	sshll.u32 s28, $0x1;
	[dreg:$0x2] =	wrdreg s3  }
0xa9: {  	[dreg:$0x3] =	wrdreg s5  }
0xaa: {  	[dreg:$0x4] =	wrdreg $0xC0  }
0xab: {  	_ =	task [dreg:s7], $0x5FFFF  }
0xac: {  	[dreg:$0x1] =	wrdreg $0xFFFFFFFF  }
0xad: {  	[dreg:$0x0] =	wrdreg $0x60  }
0xae: {  	[dreg:$0x2] =	wrdreg s24  }
0xaf: {  	[dreg:$0x3] =	wrdreg s2  }
0xb0: {  	[dreg:$0x4] =	wrdreg $0x9  }
0xb1: {  	_ =	task.clear_ibuf [dreg:s7], $0x5FFFF;
	_ =	strace $0x90000046  }
0xb2: {  	s29 =	simm.s32 $0x9;
	_ =	strace $0x80000048  }
0xb3: {  	_ =	swait.ge [sflag:s29], $0x1  }
0xb4: {  	[sflag:s29] =	ssyncadd.s32 $0xFFFFFFFF  }
0xb5: {  	_ =	strace $0x90000048  }
0xb6: {  	_ =	sfence  }
0xb7: {  	s30 =	sld [smem:$0x0];
	_ =	sdelay $0x2  }
0xb8: {  	s31 =	sshll.u32 s1, $0xD;
	s1 =	sshrl.u32 s1, $0x2  }
0xb9: {  	s3 =	sand.u32 $0x4000, s31;
	s1 =	sadd.s32 s1, s30  }
0xba: {  	s0 =	sor.u32 s3, s0;
	s1 =	sshll.u32 s1, $0x11  }
0xbb: {  	s0 =	sor.u32 s1, s0  }
0xbc: {  	s0 =	sadd.s32 $0x8F2B, s0  }
0xbd: {  	[sflag:s0] =	ssyncadd.remote.s32 $0x1  }
0xbe: {  	_ =	sfence.sel $0xFFFF  }
0xbf: {  	[dreg:$0x0] =	wrdreg $0xFFFFFFFF;
	(pc) =	sbr.abs _section_cstart, $3  }
0xc0: {  	[dreg:$0x1] =	wrdreg $0xFFFFFFFF  }
0xc1: {  	_ =	task.clear_ibuf [dreg:s7], $0x2FFFF;
	_ =	strace $0x9FFFFFFF  }
0xc2: {  	(tm) =	ssettm $0x7FFFFFFF  }
0xc3: {  	_ =	shalt  }
tec
execute0_lowered:
.L_overlay_start_1:
0x0: {  	(tag) =	ssettag $0x1  }
0x1: {  	s4 =	rddreg [dreg:$0x0]  }
0x2: {  	s5 =	rddreg [dreg:$0x1]  }
0x3: {  	s0 =	rddreg [dreg:$0x2];
	s3 =	srdreg.scid  }
0x4: {  	s2 =	simm.s32 $0x0;
	s1 =	stileid.u32;
	s11 =	simm.s32 $0x0  }
0x5: {  	s6 =	sand.u32 $0x1, s3;
	[smem:$0x7FF] =	sst s2;
	s7 =	sshll.u32 s1, $0xA  }
0x6: {  	s3 =	sadd.s32 $0x1400, s4;
	s8 =	sshll.u32 s6, $0x9;
	s6 =	ssub.s32 $0x2, s6  }
0x7: {  	_ =	strace $0x80000047;
	s7 =	sor.u32 s8, s7;
	s31 =	sshrl.u32 s6, $0x1  }
0x8: {  	s8 =	sshrl.u32 s7, $0x3;
	s7 =	sshll.u32 s7, $0x4;
	s10 =	ssub.s32 s6, s31  }
0x9: {  	s9 =	sadd.s32 s8, s4;
	s7 =	sadd.s32 s7, s4;
	s5 =	sadd.s32 s5, s8  }
0xa: {  	s8 =	simm.s32 $0x2;
	s4 =	sadd.s32 $0xC00, s9;
	s6 =	sadd.s32 $0xF43800, s7  }
0xb: {  	s7 =	smax.u32 s10, $0x1;
	s9 =	simm.s32 $0x1;
	s10 =	simm.s32 $0x400  }
.LBB2_1:
0xc: {  	[tilespmem:s2], [sflag:$0x2] =	stream.linear.gather [hbm4b:s4+s2], $0x200, $0x38;
	[tilespmem:$0x10400] =	vst v63  }
0xd: {  	_ =	swait.ge [sflag:s8], $0x200  }
0xe: {  	[sflag:s8] =	ssyncset.done $0x0  }
0xf: {  	s12 =	simm.s32 $0x200;
	[sflag:s8] =	ssyncadd.s32 $0xFFFFFE00  }
0x10: {  	[tilespmem:s12], [sflag:$0x2] =	stream.linear.gather [hbm4b:s5+s2], $0x200, $0x38;
	[tilespmem:$0x10400] =	vst v63  }
0x11: {  	_ =	swait.ge [sflag:s8], $0x200  }
0x12: {  	[sflag:s8] =	ssyncset.done $0x0  }
0x13: {  	s13 =	simm.s32 $0x0;
	s14 =	simm.s32 $0x0;
	[sflag:s8] =	ssyncadd.s32 $0xFFFFFE00  }
.LBB2_2:
0x14: {  	v0 =	vld [tilespmem:s12+$0x0];
	_ =	sdelay $0x4  }
0x15: {  	v1 =	vld [tilespmem:s13+$0x0];
	v0 =	vshll.u32 v0, $0x7  }
0x16: {  	(v2sf) =	vpush v0, $0x0;
	_ =	sdelay $0x3  }
0x17: {  	v1 =	vshll.u32 v1, $0xA  }
0x18: {  	(v2sf) =	vpush v1, $0x0  }
0x19: {  	(v2sf) =	vpush v0, $0x1  }
0x1a: {  	(v2sf) =	vpush v1, $0x1;
	_ =	sdelay $0x4  }
0x1b: {  	(v2sf) =	vpush v0, $0x2;
	_ =	sdelay $0x2  }
0x1c: {  	s15 =	spop (v2sf);
	(v2sf) =	vpush v1, $0x2;
	_ =	sdelay $0x3  }
0x1d: {  	(v2sf) =	vpush v0, $0x3  }
0x1e: {  	s17 =	spop (v2sf)  }
0x1f: {  	s21 =	spop (v2sf);
	(v2sf) =	vpush v1, $0x3  }
0x20: {  	s18 =	spop (v2sf);
	(v2sf) =	vpush v0, $0x4  }
0x21: {  	s16 =	sand.u32 $0xFFFFFC00, s15  }
0x22: {  	s15 =	sand.u32 $0x380, s15;
	s16 =	sadd.s32 s17, s16  }
0x23: {  	s16 =	sor.u32 s15, s16  }
0x24: {  	s15 =	sshra.s32 s14, $0x2;
	s22 =	sand.u32 $0xFFFFFC00, s21;
	s16 =	sshrl.u32 s16, $0x3  }
0x25: {  	s20 =	sadd.s32 $0x400, s15;
	s24 =	spop (v2sf);
	(v2sf) =	vpush v1, $0x4;
	s16 =	sadd.s32 s3, s16  }
0x26: {  	[tilespmem:s20], [sflag:$0x1] =	stream.linear.gather [hbm4b:s16+s2], $0x80, $0x38;
	[tilespmem:$0x10400] =	vst v63  }
0x27: {  	s17 =	sadd.s32 s18, s22;
	s16 =	sand.u32 $0x380, s21  }
0x28: {  	s16 =	sor.u32 s16, s17;
	s26 =	spop (v2sf);
	(v2sf) =	vpush v0, $0x5  }
0x29: {  	s16 =	sshrl.u32 s16, $0x3  }
0x2a: {  	s23 =	sadd.s32 $0x480, s15;
	s16 =	sadd.s32 s3, s16  }
0x2b: {  	[tilespmem:s23], [sflag:$0x1] =	stream.linear.gather [hbm4b:s16+s2], $0x80, $0x38;
	[tilespmem:$0x10400] =	vst v63  }
0x2c: {  	s25 =	sand.u32 $0xFFFFFC00, s24;
	s29 =	spop (v2sf);
	(v2sf) =	vpush v1, $0x5  }
0x2d: {  	s16 =	sand.u32 $0x380, s24;
	s17 =	sadd.s32 s26, s25  }
0x2e: {  	s16 =	sor.u32 s16, s17;
	s31 =	spop (v2sf);
	(v2sf) =	vpush v0, $0x6  }
0x2f: {  	s16 =	sshrl.u32 s16, $0x3;
	s20 =	spop (v2sf);
	(v2sf) =	vpush v1, $0x6  }
0x30: {  	s28 =	sadd.s32 $0x500, s15;
	s30 =	sand.u32 $0xFFFFFC00, s29;
	s16 =	sadd.s32 s3, s16  }
0x31: {  	[tilespmem:s28], [sflag:$0x1] =	stream.linear.gather [hbm4b:s16+s2], $0x80, $0x38;
	[tilespmem:$0x10400] =	vst v63  }
0x32: {  	s17 =	sadd.s32 s31, s30;
	s16 =	sand.u32 $0x380, s29  }
0x33: {  	s16 =	sor.u32 s16, s17  }
0x34: {  	s22 =	spop (v2sf);
	(v2sf) =	vpush v0, $0x7;
	s16 =	sshrl.u32 s16, $0x3  }
0x35: {  	s19 =	sadd.s32 $0x580, s15;
	s16 =	sadd.s32 s3, s16  }
0x36: {  	[tilespmem:s19], [sflag:$0x1] =	stream.linear.gather [hbm4b:s16+s2], $0x80, $0x38;
	[tilespmem:$0x10400] =	vst v63  }
0x37: {  	s21 =	sand.u32 $0xFFFFFC00, s20;
	s24 =	spop (v2sf);
	(v2sf) =	vpush v1, $0x7  }
0x38: {  	s17 =	sadd.s32 s22, s21;
	s16 =	sand.u32 $0x380, s20  }
0x39: {  	s16 =	sor.u32 s16, s17  }
0x3a: {  	s16 =	sshrl.u32 s16, $0x3  }
0x3b: {  	s23 =	sadd.s32 $0x600, s15;
	s16 =	sadd.s32 s3, s16;
	s26 =	spop (v2sf);
	(v2sf) =	vpush v0, $0x8  }
0x3c: {  	[tilespmem:s23], [sflag:$0x1] =	stream.linear.gather [hbm4b:s16+s2], $0x80, $0x38;
	[tilespmem:$0x10400] =	vst v63  }
0x3d: {  	s29 =	spop (v2sf);
	(v2sf) =	vpush v1, $0x8  }
0x3e: {  	s31 =	spop (v2sf);
	(v2sf) =	vpush v0, $0x9  }
0x3f: {  	s25 =	sand.u32 $0xFFFFFC00, s24  }
0x40: {  	s16 =	sand.u32 $0x380, s24;
	s17 =	sadd.s32 s26, s25  }
0x41: {  	s16 =	sor.u32 s16, s17  }
0x42: {  	s28 =	sadd.s32 $0x680, s15;
	s16 =	sshrl.u32 s16, $0x3  }
0x43: {  	s30 =	sand.u32 $0xFFFFFC00, s29;
	s20 =	spop (v2sf);
	(v2sf) =	vpush v1, $0x9;
	s16 =	sadd.s32 s3, s16  }
0x44: {  	[tilespmem:s28], [sflag:$0x1] =	stream.linear.gather [hbm4b:s16+s2], $0x80, $0x38;
	[tilespmem:$0x10400] =	vst v63  }
0x45: {  	s17 =	sadd.s32 s31, s30;
	s16 =	sand.u32 $0x380, s29  }
0x46: {  	s16 =	sor.u32 s16, s17;
	s22 =	spop (v2sf);
	(v2sf) =	vpush v0, $0xA  }
0x47: {  	s16 =	sshrl.u32 s16, $0x3  }
0x48: {  	s19 =	sadd.s32 $0x700, s15;
	s21 =	sand.u32 $0xFFFFFC00, s20;
	s16 =	sadd.s32 s3, s16  }
0x49: {  	[tilespmem:s19], [sflag:$0x1] =	stream.linear.gather [hbm4b:s16+s2], $0x80, $0x38;
	[tilespmem:$0x10400] =	vst v63  }
0x4a: {  	s16 =	sand.u32 $0x380, s20;
	s17 =	sadd.s32 s22, s21;
	s24 =	spop (v2sf);
	(v2sf) =	vpush v1, $0xA  }
0x4b: {  	s16 =	sor.u32 s16, s17  }
0x4c: {  	s23 =	sadd.s32 $0x780, s15;
	s26 =	spop (v2sf);
	s16 =	sshrl.u32 s16, $0x3  }
0x4d: {  	s25 =	sand.u32 $0xFFFFFC00, s24;
	(v2sf) =	vpush v0, $0xB;
	s29 =	spop (v2sf);
	s16 =	sadd.s32 s3, s16  }
0x4e: {  	(v2sf) =	vpush v1, $0xB;
	[tilespmem:s23], [sflag:$0x1] =	stream.linear.gather [hbm4b:s16+s2], $0x80, $0x38;
	[tilespmem:$0x10400] =	vst v63  }
0x4f: {  	s17 =	sadd.s32 s26, s25;
	s16 =	sand.u32 $0x380, s24  }
0x50: {  	s16 =	sor.u32 s16, s17  }
0x51: {  	s28 =	sadd.s32 $0x800, s15;
	s16 =	sshrl.u32 s16, $0x3  }
0x52: {  	s30 =	sand.u32 $0xFFFFFC00, s29;
	s31 =	spop (v2sf);
	s16 =	sadd.s32 s3, s16  }
0x53: {  	(v2sf) =	vpush v0, $0xC;
	[tilespmem:s28], [sflag:$0x1] =	stream.linear.gather [hbm4b:s16+s2], $0x80, $0x38;
	[tilespmem:$0x10400] =	vst v63  }
0x54: {  	s17 =	sadd.s32 s31, s30;
	s16 =	sand.u32 $0x380, s29  }
0x55: {  	s16 =	sor.u32 s16, s17;
	s20 =	spop (v2sf);
	(v2sf) =	vpush v1, $0xC  }
0x56: {  	s16 =	sshrl.u32 s16, $0x3  }
0x57: {  	s19 =	sadd.s32 $0x880, s15;
	s16 =	sadd.s32 s3, s16  }
0x58: {  	[tilespmem:s19], [sflag:$0x1] =	stream.linear.gather [hbm4b:s16+s2], $0x80, $0x38;
	(v2sf) =	vpush v0, $0xD;
	[tilespmem:$0x10400] =	vst v63  }
0x59: {  	s21 =	sand.u32 $0xFFFFFC00, s20;
	s22 =	spop (v2sf);
	(v2sf) =	vpush v1, $0xD  }
0x5a: {  	s16 =	sand.u32 $0x380, s20;
	s17 =	sadd.s32 s22, s21  }
0x5b: {  	s16 =	sor.u32 s16, s17  }
0x5c: {  	s23 =	sadd.s32 $0x900, s15;
	s24 =	spop (v2sf);
	s16 =	sshrl.u32 s16, $0x3  }
0x5d: {  	s25 =	sand.u32 $0xFFFFFC00, s24;
	s26 =	spop (v2sf);
	(v2sf) =	vpush v0, $0xE;
	s16 =	sadd.s32 s3, s16  }
0x5e: {  	(v2sf) =	vpush v1, $0xE;
	[tilespmem:s23], [sflag:$0x1] =	stream.linear.gather [hbm4b:s16+s2], $0x80, $0x38;
	[tilespmem:$0x10400] =	vst v63  }
0x5f: {  	s17 =	sadd.s32 s26, s25;
	s16 =	sand.u32 $0x380, s24  }
0x60: {  	s16 =	sor.u32 s16, s17  }
0x61: {  	s16 =	sshrl.u32 s16, $0x3  }
0x62: {  	s28 =	sadd.s32 $0x980, s15;
	s29 =	spop (v2sf);
	s16 =	sadd.s32 s3, s16  }
0x63: {  	[tilespmem:s28], [sflag:$0x1] =	stream.linear.gather [hbm4b:s16+s2], $0x80, $0x38;
	[tilespmem:$0x10400] =	vst v63  }
0x64: {  	s30 =	sand.u32 $0xFFFFFC00, s29;
	s31 =	spop (v2sf)  }
0x65: {  	s16 =	sand.u32 $0x380, s29;
	(v2sf) =	vpush v1, $0xF;
	s17 =	sadd.s32 s31, s30  }
0x66: {  	(v2sf) =	vpush v0, $0xF;
	s16 =	sor.u32 s16, s17  }
0x67: {  	s20 =	sadd.s32 $0xA00, s15;
	s19 =	spop (v2sf);
	s16 =	sshrl.u32 s16, $0x3  }
0x68: {  	s21 =	spop (v2sf);
	s22 =	sand.u32 $0xFFFFFC00, s19;
	s16 =	sadd.s32 s3, s16  }
0x69: {  	[tilespmem:s20], [sflag:$0x1] =	stream.linear.gather [hbm4b:s16+s2], $0x80, $0x38;
	[tilespmem:$0x10400] =	vst v63  }
0x6a: {  	s17 =	sand.u32 $0x380, s19;
	s16 =	sadd.s32 s21, s22  }
0x6b: {  	s16 =	sor.u32 s17, s16  }
0x6c: {  	s24 =	sadd.s32 $0xA80, s15;
	s23 =	spop (v2sf);
	s16 =	sshrl.u32 s16, $0x3  }
0x6d: {  	s25 =	spop (v2sf);
	s26 =	sand.u32 $0xFFFFFC00, s23;
	s16 =	sadd.s32 s3, s16  }
0x6e: {  	[tilespmem:s24], [sflag:$0x1] =	stream.linear.gather [hbm4b:s16+s2], $0x80, $0x38;
	[tilespmem:$0x10400] =	vst v63  }
0x6f: {  	s17 =	sand.u32 $0x380, s23;
	s16 =	sadd.s32 s25, s26  }
0x70: {  	s16 =	sor.u32 s17, s16  }
0x71: {  	s16 =	sshrl.u32 s16, $0x3  }
0x72: {  	s29 =	sadd.s32 $0xB00, s15;
	s16 =	sadd.s32 s3, s16  }
0x73: {  	[tilespmem:s29], [sflag:$0x1] =	stream.linear.gather [hbm4b:s16+s2], $0x80, $0x38;
	[tilespmem:$0x10400] =	vst v63  }
0x74: {  	s28 =	spop (v2sf)  }
0x75: {  	s30 =	spop (v2sf)  }
0x76: {  	s31 =	sand.u32 $0xFFFFFC00, s30  }
0x77: {  	s16 =	sand.u32 $0x380, s30;
	s17 =	sadd.s32 s28, s31  }
0x78: {  	s16 =	sor.u32 s16, s17  }
0x79: {  	s16 =	sshrl.u32 s16, $0x3  }
0x7a: {  	s15 =	sadd.s32 $0xB80, s15;
	s16 =	sadd.s32 s3, s16  }
0x7b: {  	[tilespmem:s15], [sflag:$0x1] =	stream.linear.gather [hbm4b:s16+s2], $0x80, $0x38;
	[tilespmem:$0x10400] =	vst v63  }
0x7c: {  	_ =	swait.ge [sflag:s9], $0x80  }
0x7d: {  	[sflag:s9] =	ssyncset.done $0x0  }
0x7e: {  	[sflag:s9] =	ssyncadd.s32 $0xFFFFFF80  }
0x7f: {  	_ =	swait.ge [sflag:s9], $0x80  }
0x80: {  	[sflag:s9] =	ssyncset.done $0x0  }
0x81: {  	[sflag:s9] =	ssyncadd.s32 $0xFFFFFF80  }
0x82: {  	_ =	swait.ge [sflag:s9], $0x80  }
0x83: {  	[sflag:s9] =	ssyncset.done $0x0  }
0x84: {  	[sflag:s9] =	ssyncadd.s32 $0xFFFFFF80  }
0x85: {  	_ =	swait.ge [sflag:s9], $0x80  }
0x86: {  	[sflag:s9] =	ssyncset.done $0x0  }
0x87: {  	[sflag:s9] =	ssyncadd.s32 $0xFFFFFF80  }
0x88: {  	_ =	swait.ge [sflag:s9], $0x80  }
0x89: {  	[sflag:s9] =	ssyncset.done $0x0  }
0x8a: {  	[sflag:s9] =	ssyncadd.s32 $0xFFFFFF80  }
0x8b: {  	_ =	swait.ge [sflag:s9], $0x80  }
0x8c: {  	[sflag:s9] =	ssyncset.done $0x0  }
0x8d: {  	[sflag:s9] =	ssyncadd.s32 $0xFFFFFF80  }
0x8e: {  	_ =	swait.ge [sflag:s9], $0x80  }
0x8f: {  	[sflag:s9] =	ssyncset.done $0x0  }
0x90: {  	[sflag:s9] =	ssyncadd.s32 $0xFFFFFF80  }
0x91: {  	_ =	swait.ge [sflag:s9], $0x80  }
0x92: {  	[sflag:s9] =	ssyncset.done $0x0  }
0x93: {  	[sflag:s9] =	ssyncadd.s32 $0xFFFFFF80  }
0x94: {  	_ =	swait.ge [sflag:s9], $0x80  }
0x95: {  	[sflag:s9] =	ssyncset.done $0x0  }
0x96: {  	[sflag:s9] =	ssyncadd.s32 $0xFFFFFF80  }
0x97: {  	_ =	swait.ge [sflag:s9], $0x80  }
0x98: {  	[sflag:s9] =	ssyncset.done $0x0  }
0x99: {  	[sflag:s9] =	ssyncadd.s32 $0xFFFFFF80  }
0x9a: {  	_ =	swait.ge [sflag:s9], $0x80  }
0x9b: {  	[sflag:s9] =	ssyncset.done $0x0  }
0x9c: {  	[sflag:s9] =	ssyncadd.s32 $0xFFFFFF80  }
0x9d: {  	_ =	swait.ge [sflag:s9], $0x80  }
0x9e: {  	[sflag:s9] =	ssyncset.done $0x0  }
0x9f: {  	[sflag:s9] =	ssyncadd.s32 $0xFFFFFF80  }
0xa0: {  	_ =	swait.ge [sflag:s9], $0x80  }
0xa1: {  	[sflag:s9] =	ssyncset.done $0x0  }
0xa2: {  	[sflag:s9] =	ssyncadd.s32 $0xFFFFFF80  }
0xa3: {  	_ =	swait.ge [sflag:s9], $0x80  }
0xa4: {  	[sflag:s9] =	ssyncset.done $0x0  }
0xa5: {  	[sflag:s9] =	ssyncadd.s32 $0xFFFFFF80  }
0xa6: {  	p0 =	sne.s32 s14, $0x3E000;
	_ =	swait.ge [sflag:s9], $0x80  }
.Ltmp0:
0xa7: {  	[sflag:s9] =	ssyncset.done $0x0;
	(pc) =	sbr.rel @p0 .LBB2_2-.Ltmp0, $4  }
0xa8: {  	[sflag:s9] =	ssyncadd.s32 $0xFFFFFF80  }
0xa9: {  	_ =	swait.ge [sflag:s9], $0x80  }
0xaa: {  	s13 =	sadd.s32 $0x10, s13;
	[sflag:s9] =	ssyncset.done $0x0  }
0xab: {  	s12 =	sadd.s32 $0x10, s12;
	s14 =	sadd.s32 $0x2000, s14;
	[sflag:s9] =	ssyncadd.s32 $0xFFFFFF80  }
0xac: {  	s11 =	sadd.s32 $0x1, s11  }
0xad: {  	p0 =	sne.s32 s11, s7  }
.Ltmp1:
0xae: {  	_ = 	snop;
	(pc) =	sbr.rel @p0 .LBB2_1-.Ltmp1, $4  }
0xaf: {  	[hbm4b:s6+s2] =	stream.linear.scatter [tilespmem:s10], [sflag:$0x2], $0x10000, $0x38;
	[tilespmem:$0x10400] =	vst v63  }
0xb0: {  	_ =	swait.ge [sflag:s8], $0x10000  }
0xb1: {  	[sflag:s8] =	ssyncset.done $0x0  }
0xb2: {  	[sflag:s8] =	ssyncadd.s32 $0xFFFF0000  }
0xb3: {  	_ =	sfence.sel $0x180000  }
0xb4: {  	[bflag:$0x0] =	sbarrier.arrive $0xFFFF  }
0xb5: {  	p0 =	sne.s32 s1, $0x0;
	_ =	strace $0x90000047  }
0xb6: {  	s0 =	sadd.s32 @!p0 $0x100000, s0;
	[bflag:$0x2] =	sbarrier.arrive $0xFFFF  }
0xb7: {  	[sflag:s0] =	ssyncadd.tile.s32 @!p0 $0x1;
	_ =	shalt  }
.Lfunc_end2:
_tile_overlayer_lowered:
.L_overlay_start_2:
0xb8: {  	(tag) =	ssettag $0x2  }
0xb9: {  	s0 =	rddreg [dreg:$0x0];
	s2 =	stileid.u32  }
0xba: {  	s1 =	rddreg [dreg:$0x1];
	p0 =	sne.s32 s2, $0x0  }
0xbb: {  	s3 =	rddreg [dreg:$0x2];
	[bflag:$0x3] =	sbarrier.arrive $0xFFFF;
	s2 =	simm.s32 @!p0 $0x1C02  }
0xbc: {  	[timem:s3], [sflag:s2] =	dma.local @!p0 [hbm:s0], s1  }
0xbd: {  	s0 =	simm.s32 @!p0 $0x2  }
0xbe: {  	_ =	swait.ge @!p0 [sflag:s0], s1  }
0xbf: {  	s1 =	ssub.s32 @!p0 $0x0, s1;
	[sflag:s0] =	ssyncset.done @!p0 $0x0  }
0xc0: {  	[sflag:s0] =	ssyncadd.s32 @!p0 s1  }
0xc1: {  	[bflag:$0x3] =	sbarrier.arrive $0xFFFF  }
0xc2: {  	_ =	shalt  }

</sc_bundles>
